<compile_context>
chip_gen: v7x
topology: tpu7x:2x2x1
jax: 0.10.2.dev20260603
libtpu: 0.0.44.dev20260713+nightly
codegen_flags: <defaults>
</compile_context>

<pallas_src>
import functools

import jax
import jax.numpy as jnp
from jax import lax
from jax.experimental import pallas as pl
from jax.experimental.pallas import tpu as pltpu
from jax.experimental.pallas import tpu_sc as plsc

NC = 2
NS = 16
NW = NC * NS
CH = 128


def _cdiv(a, b):
    return (a + b - 1) // b



def _make_deg_kernel(nch, ndeg):
    stripe = ndeg // NS
    mesh = plsc.VectorSubcoreMesh(core_axis_name="c", subcore_axis_name="s")

    @functools.partial(
        pl.kernel,
        out_type=jax.ShapeDtypeStruct((NC, ndeg), jnp.float32),
        mesh=mesh,
        scratch_types=[
            pltpu.VMEM((nch, CH), jnp.int32),
            pltpu.VMEM((CH,), jnp.float32),
            pltpu.VMEM((stripe,), jnp.float32),
            pltpu.VMEM_SHARED((ndeg,), jnp.float32),
        ],
    )
    def deg_kernel(dst_hbm, out_hbm, dst_v, ones_v, zbuf_v, acc_sh):
        c = lax.axis_index("c")
        s = lax.axis_index("s")
        wid = c * NS + s

        def fill_ones(i, carry):
            ones_v[pl.ds(i * 16, 16)] = jnp.ones((16,), jnp.float32)
            return carry
        lax.fori_loop(0, CH // 16, fill_ones, 0)

        def fill_zeros(i, carry):
            zbuf_v[pl.ds(i * 16, 16)] = jnp.zeros((16,), jnp.float32)
            return carry
        lax.fori_loop(0, stripe // 16, fill_zeros, 0)

        pltpu.sync_copy(zbuf_v, acc_sh.at[pl.ds(s * stripe, stripe)])
        pltpu.sync_copy(dst_hbm.at[wid], dst_v)
        plsc.subcore_barrier()

        def body(j, carry):
            pltpu.sync_copy(ones_v, acc_sh.at[dst_v.at[j]], add=True)
            return carry
        lax.fori_loop(0, nch, body, 0)

        plsc.subcore_barrier()
        pltpu.sync_copy(acc_sh.at[pl.ds(s * stripe, stripe)],
                        out_hbm.at[c].at[pl.ds(s * stripe, stripe)])

    return deg_kernel


def _make_scatter_kernel(d, nch, nacc):
    stripe = nacc // NS
    mesh = plsc.VectorSubcoreMesh(core_axis_name="c", subcore_axis_name="s")

    @functools.partial(
        pl.kernel,
        out_type=jax.ShapeDtypeStruct((NC, nacc, d), jnp.float32),
        mesh=mesh,
        scratch_types=[
            pltpu.VMEM((nch, CH), jnp.int32),
            pltpu.VMEM((nch, CH), jnp.int32),
            pltpu.VMEM((CH, d), jnp.float32),
            pltpu.VMEM_SHARED((nacc, d), jnp.float32),
            pltpu.SemaphoreType.DMA,
        ],
    )
    def sc_kernel(table_hbm, src_hbm, dst_hbm, out_hbm,
                  src_v, dst_v, gbuf, acc_sh, sem):
        c = lax.axis_index("c")
        s = lax.axis_index("s")
        wid = c * NS + s

        def zrow(i, carry):
            def zcol(k, carry2):
                gbuf[i, pl.ds(k * 16, 16)] = jnp.zeros((16,), jnp.float32)
                return carry2
            lax.fori_loop(0, d // 16, zcol, 0)
            return carry
        lax.fori_loop(0, CH, zrow, 0)

        off = 0
        while off < stripe:
            ln = min(CH, stripe - off)
            pltpu.sync_copy(gbuf.at[pl.ds(0, ln)],
                            acc_sh.at[pl.ds(s * stripe + off, ln)])
            off += ln
        pltpu.sync_copy(src_hbm.at[wid], src_v)
        pltpu.sync_copy(dst_hbm.at[wid], dst_v)
        plsc.subcore_barrier()

        def body(j, carry):
            pltpu.async_copy(table_hbm.at[src_v.at[j]], gbuf, sem).wait()
            pltpu.sync_copy(gbuf, acc_sh.at[dst_v.at[j]], add=True)
            return carry
        lax.fori_loop(0, nch, body, 0)

        plsc.subcore_barrier()
        pltpu.sync_copy(acc_sh.at[pl.ds(s * stripe, stripe)],
                        out_hbm.at[c].at[pl.ds(s * stripe, stripe)])

    return sc_kernel



def _tc_stage1(degT, x, W1T, WskipT, rb):
    n, d_in = x.shape
    d_h = W1T.shape[1]
    d_c = WskipT.shape[1]
    nb = n // rb

    def body(deg_ref, x_ref, w1_ref, ws_ref, h1s_ref, hs_ref, dinv_ref):
        deg = deg_ref[...]
        dinv = lax.rsqrt(deg[:, 0:1] + deg[:, 1:2] + 1.0)
        xb = x_ref[...]
        h1s_ref[...] = dinv * jnp.dot(xb, w1_ref[...],
                                      preferred_element_type=jnp.float32)
        hs_ref[...] = jnp.dot(xb, ws_ref[...],
                              preferred_element_type=jnp.float32)
        dinv_ref[...] = dinv

    return pl.pallas_call(
        body,
        grid=(nb,),
        in_specs=[
            pl.BlockSpec((rb, 2), lambda i: (i, 0)),
            pl.BlockSpec((rb, d_in), lambda i: (i, 0)),
            pl.BlockSpec((d_in, d_h), lambda i: (0, 0)),
            pl.BlockSpec((d_in, d_c), lambda i: (0, 0)),
        ],
        out_specs=[
            pl.BlockSpec((rb, d_h), lambda i: (i, 0)),
            pl.BlockSpec((rb, d_c), lambda i: (i, 0)),
            pl.BlockSpec((rb, 1), lambda i: (i, 0)),
        ],
        out_shape=[
            jax.ShapeDtypeStruct((n, d_h), jnp.float32),
            jax.ShapeDtypeStruct((n, d_c), jnp.float32),
            jax.ShapeDtypeStruct((n, 1), jnp.float32),
        ],
    )(degT, x, W1T, WskipT)


def _tc_stage2(P0, P1, h1s, dinv, rb):
    n, d_h = h1s.shape
    nb = n // rb

    def body(p0_ref, p1_ref, h1s_ref, dinv_ref, u_ref):
        dinv = dinv_ref[...]
        agg = p0_ref[...] + p1_ref[...] + h1s_ref[...]
        u_ref[...] = dinv * jnp.maximum(dinv * agg, 0.0)

    return pl.pallas_call(
        body,
        grid=(nb,),
        in_specs=[
            pl.BlockSpec((rb, d_h), lambda i: (i, 0)),
            pl.BlockSpec((rb, d_h), lambda i: (i, 0)),
            pl.BlockSpec((rb, d_h), lambda i: (i, 0)),
            pl.BlockSpec((rb, 1), lambda i: (i, 0)),
        ],
        out_specs=pl.BlockSpec((rb, d_h), lambda i: (i, 0)),
        out_shape=jax.ShapeDtypeStruct((n, d_h), jnp.float32),
    )(P0, P1, h1s, dinv)


def _tc_stage3(U0, U1, u, dinv, Hs, W2T, rb):
    n, d_h = u.shape
    d_c = W2T.shape[1]
    nb = n // rb

    def body(u0_ref, u1_ref, u_ref, dinv_ref, hs_ref, w2_ref, hid_ref, out_ref):
        dinv = dinv_ref[...]
        m = u0_ref[...] + u1_ref[...] + u_ref[...]
        hidden2 = dinv * jnp.dot(m, w2_ref[...],
                                 preferred_element_type=jnp.float32)
        hid_ref[...] = hidden2
        z = hidden2 + hs_ref[...]
        z = z - jnp.max(z, axis=1, keepdims=True)
        e = jnp.exp(z)
        out_ref[...] = e / jnp.sum(e, axis=1, keepdims=True)

    return pl.pallas_call(
        body,
        grid=(nb,),
        in_specs=[
            pl.BlockSpec((rb, d_h), lambda i: (i, 0)),
            pl.BlockSpec((rb, d_h), lambda i: (i, 0)),
            pl.BlockSpec((rb, d_h), lambda i: (i, 0)),
            pl.BlockSpec((rb, 1), lambda i: (i, 0)),
            pl.BlockSpec((rb, d_c), lambda i: (i, 0)),
            pl.BlockSpec((d_h, d_c), lambda i: (0, 0)),
        ],
        out_specs=[
            pl.BlockSpec((rb, d_c), lambda i: (i, 0)),
            pl.BlockSpec((rb, d_c), lambda i: (i, 0)),
        ],
        out_shape=[
            jax.ShapeDtypeStruct((n, d_c), jnp.float32),
            jax.ShapeDtypeStruct((n, d_c), jnp.float32),
        ],
    )(U0, U1, u, dinv, Hs, W2T)



def kernel(x, edge_index, batch_index, W1, W2, W_skip):
    n, d_in = x.shape
    e = edge_index.shape[1]
    d_h = W1.shape[0]
    d_c = W2.shape[0]

    nch = _cdiv(_cdiv(e, NW), CH)
    tot = NW * nch * CH
    src = jnp.concatenate(
        [edge_index[0], jnp.zeros((tot - e,), jnp.int32)]).reshape(NW, nch, CH)
    dst = jnp.concatenate(
        [edge_index[1], jnp.full((tot - e,), n, jnp.int32)]).reshape(NW, nch, CH)

    ndeg = ((n + 1 + NS * 128 - 1) // (NS * 128)) * (NS * 128)
    nacc = ((n + 1 + NS * 8 - 1) // (NS * 8)) * (NS * 8)

    degs = _make_deg_kernel(nch, ndeg)(dst)
    degT = jnp.stack([degs[0, :n], degs[1, :n]], axis=1)

    rb = n // 10 if (n % 10 == 0 and (n // 10) % 8 == 0) else 8
    h1s, Hs, dinv = _tc_stage1(degT, x, W1.T, W_skip.T, rb)

    scatter = _make_scatter_kernel(d_h, nch, nacc)
    P = scatter(h1s, src, dst)
    u = _tc_stage2(P[0, :n], P[1, :n], h1s, dinv, rb)

    U = scatter(u, src, dst)
    hidden2, output = _tc_stage3(U[0, :n], U[1, :n], u, dinv, Hs, W2.T, rb)
    return (hidden2, output)

# --- scband reference (transcript-rebuilt; emitter-appended) ---
"""Pipeline reference for scband-skip-gcn-27934467293578 (READ-ONLY COPY).

The authoritative reference and input builder live on the scoring server;
editing this copy changes nothing except your own understanding.
"""

import jax, jax.numpy as jnp
import numpy as np

N = 10000
E = 320000
D_IN = 128
D_H = 128
D_C = 64


def setup_inputs(seed: int = 0) -> dict:
    key = jax.random.key(seed)
    k1, k2, k3, k4, k5 = jax.random.split(key, 5)
    x = jax.random.normal(k1, (N, D_IN), dtype=jnp.float32)
    edge_index = jax.random.randint(k2, (2, E), 0, N, dtype=jnp.int32)
    batch_index = jnp.zeros((N,), dtype=jnp.int32)
    # GCNConv weights in PyG convention: [out_channels, in_channels], applied as x @ W.T
    W1 = jax.random.normal(k3, (D_H, D_IN), dtype=jnp.float32) * (1.0 / np.sqrt(D_IN))
    W2 = jax.random.normal(k4, (D_C, D_H), dtype=jnp.float32) * (1.0 / np.sqrt(D_H))
    W_skip = jax.random.normal(k5, (D_C, D_IN), dtype=jnp.float32) * (1.0 / np.sqrt(D_IN))
    return {"x": x, "edge_index": edge_index, "batch_index": batch_index,
            "W1": W1, "W2": W2, "W_skip": W_skip}


def _gcn_conv(x, W, edge_index, n_nodes):
    # GCNConv with add_self_loops=True, normalize=True, bias=False
    loop = jnp.arange(n_nodes, dtype=edge_index.dtype)
    src = jnp.concatenate([edge_index[0], loop])
    dst = jnp.concatenate([edge_index[1], loop])
    deg = jax.ops.segment_sum(jnp.ones_like(dst, dtype=x.dtype), dst, num_segments=n_nodes)
    dinv = jnp.where(deg > 0, jax.lax.rsqrt(jnp.maximum(deg, 1e-12)), 0.0)
    norm = dinv[src] * dinv[dst]
    h = x @ W.T
    msgs = norm[:, None] * jnp.take(h, src, axis=0)
    return jax.ops.segment_sum(msgs, dst, num_segments=n_nodes)


def reference(x, edge_index, batch_index, W1, W2, W_skip):
    hidden1 = _gcn_conv(x, W1, edge_index, N)
    hidden1 = jax.nn.relu(hidden1)
    hidden2 = _gcn_conv(hidden1, W2, edge_index, N)
    H_skip = x @ W_skip.T
    skip_output = hidden2 + H_skip
    output = jax.nn.softmax(skip_output, axis=1)
    return (hidden2, output)

if __name__ == "__main__":
    import jax
    _d = setup_inputs()
    print(jax.jit(kernel)(*tuple(_d.values())))

</pallas_src>

<mosaic_0001>
#map = affine_map<(d0, d1) -> (0, 0, 0)>
#map1 = affine_map<(d0, d1) -> (0, 0)>
module attributes {stable_mosaic.version = 14 : i64} {
  func.func @deg_kernel(%arg0: i32, %arg1: i32, %arg2: memref<32x79x128xi32, #tpu.memory_space<hbm>>, %arg3: memref<2x10240xf32, #tpu.memory_space<hbm>>, %arg4: memref<79x128xi32, #tpu.memory_space<vmem>>, %arg5: memref<128xf32, #tpu.memory_space<vmem>>, %arg6: memref<640xf32, #tpu.memory_space<vmem>>, %arg7: memref<10240xf32, #tpu.memory_space<vmem_shared>>) attributes {dimension_semantics = [#tpu.dimension_semantics<core_parallel>, #tpu.dimension_semantics<subcore_parallel>], iteration_bounds = array<i64: 2, 16>, scalar_prefetch = 0 : i64, scratch_operands = 4 : i64, tpu.core_type = #tpu.core_type<sc_vector_subcore>, window_params = [{transform_indices = #map}, {transform_indices = #map1}]} {
    %mul3A = arith.constant 16 : i32
    %mul3A_0 = arith.muli %arg0, %mul3A : i32
    %add3A = arith.addi %mul3A_0, %arg1 : i32
    %scan3A = arith.constant 0 : i32
    %scan3A_1 = arith.constant 0 : i32
    %scan3A_2 = arith.constant 8 : i32
    %scan3A_3 = arith.addi %scan3A_1, %scan3A_2 : i32
    %scan3A_4 = arith.constant 1 : i32
    scf.for %scan3A_25 = %scan3A_1 to %scan3A_3 step %scan3A_4  : i32 {
      %broadcast_in_dim3A = arith.constant 1.000000e+00 : f32
      %broadcast_in_dim3A_26 = vector.broadcast %broadcast_in_dim3A : f32 to vector<16xf32>
      %mul3A_27 = arith.constant 16 : i32
      %mul3A_28 = arith.muli %scan3A_25, %mul3A_27 : i32
      %swap3A = arith.index_cast %mul3A_28 : i32 to index
      %swap3A_29 = tpu.vector_load %arg5[%swap3A] {strides = array<i32>} : memref<128xf32, #tpu.memory_space<vmem>>, vector<16xf32>,
      %swap3A_30 = vector.shape_cast %swap3A_29 : vector<16xf32> to vector<16xf32>
      %swap3A_31 = vector.shape_cast %broadcast_in_dim3A_26 : vector<16xf32> to vector<16xf32>
      tpu.vector_store %arg5[%swap3A], %swap3A_31 {strides = array<i32>} : memref<128xf32, #tpu.memory_space<vmem>>, vector<16xf32>,
    }
    %scan3A_5 = arith.constant 8 : i32
    %scan3A_6 = arith.constant 0 : i32
    %scan3A_7 = arith.constant 0 : i32
    %scan3A_8 = arith.constant 40 : i32
    %scan3A_9 = arith.addi %scan3A_7, %scan3A_8 : i32
    %scan3A_10 = arith.constant 1 : i32
    scf.for %scan3A_25 = %scan3A_7 to %scan3A_9 step %scan3A_10  : i32 {
      %broadcast_in_dim3A = arith.constant 0.000000e+00 : f32
      %broadcast_in_dim3A_26 = vector.broadcast %broadcast_in_dim3A : f32 to vector<16xf32>
      %mul3A_27 = arith.constant 16 : i32
      %mul3A_28 = arith.muli %scan3A_25, %mul3A_27 : i32
      %swap3A = arith.index_cast %mul3A_28 : i32 to index
      %swap3A_29 = tpu.vector_load %arg6[%swap3A] {strides = array<i32>} : memref<640xf32, #tpu.memory_space<vmem>>, vector<16xf32>,
      %swap3A_30 = vector.shape_cast %swap3A_29 : vector<16xf32> to vector<16xf32>
      %swap3A_31 = vector.shape_cast %broadcast_in_dim3A_26 : vector<16xf32> to vector<16xf32>
      tpu.vector_store %arg6[%swap3A], %swap3A_31 {strides = array<i32>} : memref<640xf32, #tpu.memory_space<vmem>>, vector<16xf32>,
    }
    %scan3A_11 = arith.constant 40 : i32
    %mul3A_12 = arith.constant 640 : i32
    %mul3A_13 = arith.muli %arg1, %mul3A_12 : i32
    "tpu.region"() ({
      %run_scoped3A = tpu.sem_alloc : memref<!tpu.dma_semaphore, #tpu.memory_space<semaphore_mem>>
      %dma_start3A = tpu.memref_slice %arg7[%mul3A_13] : memref<10240xf32, #tpu.memory_space<vmem_shared>> -> memref<640xf32, #tpu.memory_space<vmem_shared>>
      %dma_start3A_25 = tpu.memref_slice %arg7[%mul3A_13] : memref<10240xf32, #tpu.memory_space<vmem_shared>> -> memref<640xf32, #tpu.memory_space<vmem_shared>>
      tpu.enqueue_dma source(%arg6 : memref<640xf32, #tpu.memory_space<vmem>>) target(%dma_start3A_25 : memref<640xf32, #tpu.memory_space<vmem_shared>>) target_semaphore(%run_scoped3A : memref<!tpu.dma_semaphore, #tpu.memory_space<semaphore_mem>>)
      %dma_wait3A = tpu.memref_slice %arg7[%mul3A_13] : memref<10240xf32, #tpu.memory_space<vmem_shared>> -> memref<640xf32, #tpu.memory_space<vmem_shared>>
      %dma_wait3A_26 = tpu.memref_slice %arg7[%mul3A_13] : memref<10240xf32, #tpu.memory_space<vmem_shared>> -> memref<640xf32, #tpu.memory_space<vmem_shared>>
      tpu.wait_dma2 semaphore(%run_scoped3A : memref<!tpu.dma_semaphore, #tpu.memory_space<semaphore_mem>>) src(%arg6 : memref<640xf32, #tpu.memory_space<vmem>>) dst(%dma_wait3A_26 : memref<640xf32, #tpu.memory_space<vmem_shared>>)
      tpu.yield
    }) : () -> ()
    "tpu.region"() ({
      %run_scoped3A = tpu.sem_alloc : memref<!tpu.dma_semaphore, #tpu.memory_space<semaphore_mem>>
      %dma_start3A = arith.constant 0 : i32
      %dma_start3A_25 = arith.constant 0 : i32
      %dma_start3A_26 = tpu.memref_slice %arg2[%add3A, %dma_start3A, %dma_start3A_25] : memref<32x79x128xi32, #tpu.memory_space<hbm>> -> memref<1x79x128xi32, #tpu.memory_space<hbm>>
      %dma_start3A_27 = tpu.memref_squeeze %dma_start3A_26 : memref<1x79x128xi32, #tpu.memory_space<hbm>> -> memref<79x128xi32, #tpu.memory_space<hbm>>
      %dma_start3A_28 = arith.constant 0 : i32
      %dma_start3A_29 = arith.constant 0 : i32
      %dma_start3A_30 = tpu.memref_slice %arg2[%add3A, %dma_start3A_28, %dma_start3A_29] : memref<32x79x128xi32, #tpu.memory_space<hbm>> -> memref<1x79x128xi32, #tpu.memory_space<hbm>>
      %dma_start3A_31 = tpu.memref_squeeze %dma_start3A_30 : memref<1x79x128xi32, #tpu.memory_space<hbm>> -> memref<79x128xi32, #tpu.memory_space<hbm>>
      tpu.enqueue_dma source(%dma_start3A_31 : memref<79x128xi32, #tpu.memory_space<hbm>>) target(%arg4 : memref<79x128xi32, #tpu.memory_space<vmem>>) target_semaphore(%run_scoped3A : memref<!tpu.dma_semaphore, #tpu.memory_space<semaphore_mem>>)
      %dma_wait3A = arith.constant 0 : i32
      %dma_wait3A_32 = arith.constant 0 : i32
      %dma_wait3A_33 = tpu.memref_slice %arg2[%add3A, %dma_wait3A, %dma_wait3A_32] : memref<32x79x128xi32, #tpu.memory_space<hbm>> -> memref<1x79x128xi32, #tpu.memory_space<hbm>>
      %dma_wait3A_34 = tpu.memref_squeeze %dma_wait3A_33 : memref<1x79x128xi32, #tpu.memory_space<hbm>> -> memref<79x128xi32, #tpu.memory_space<hbm>>
      %dma_wait3A_35 = arith.constant 0 : i32
      %dma_wait3A_36 = arith.constant 0 : i32
      %dma_wait3A_37 = tpu.memref_slice %arg2[%add3A, %dma_wait3A_35, %dma_wait3A_36] : memref<32x79x128xi32, #tpu.memory_space<hbm>> -> memref<1x79x128xi32, #tpu.memory_space<hbm>>
      %dma_wait3A_38 = tpu.memref_squeeze %dma_wait3A_37 : memref<1x79x128xi32, #tpu.memory_space<hbm>> -> memref<79x128xi32, #tpu.memory_space<hbm>>
      tpu.wait_dma2 semaphore(%run_scoped3A : memref<!tpu.dma_semaphore, #tpu.memory_space<semaphore_mem>>) src(%dma_wait3A_38 : memref<79x128xi32, #tpu.memory_space<hbm>>) dst(%arg4 : memref<79x128xi32, #tpu.memory_space<vmem>>)
      tpu.yield
    }) : () -> ()
    %barrier3A = arith.constant 0 : index
    tpu.barrier barrier_id(%barrier3A)
    %scan3A_14 = arith.constant 0 : i32
    %scan3A_15 = arith.constant 0 : i32
    %scan3A_16 = arith.constant 79 : i32
    %scan3A_17 = arith.addi %scan3A_15, %scan3A_16 : i32
    %scan3A_18 = arith.constant 1 : i32
    scf.for %scan3A_25 = %scan3A_15 to %scan3A_17 step %scan3A_18  : i32 {
      "tpu.region"() ({
        %run_scoped3A = tpu.sem_alloc : memref<!tpu.dma_semaphore, #tpu.memory_space<semaphore_mem>>
        %dma_start3A = arith.constant 0 : i32
        %dma_start3A_26 = tpu.memref_slice %arg4[%scan3A_25, %dma_start3A] : memref<79x128xi32, #tpu.memory_space<vmem>> -> memref<1x128xi32, #tpu.memory_space<vmem>>
        %dma_start3A_27 = tpu.memref_squeeze %dma_start3A_26 : memref<1x128xi32, #tpu.memory_space<vmem>> -> memref<128xi32, #tpu.memory_space<vmem>>
        %dma_start3A_28 = arith.constant 0 : i32
        %dma_start3A_29 = tpu.memref_slice %arg7[%dma_start3A_28] : memref<10240xf32, #tpu.memory_space<vmem_shared>> -> memref<10240xf32, #tpu.memory_space<vmem_shared>>
        tpu.enqueue_indirect_dma source(%arg5 : memref<128xf32, #tpu.memory_space<vmem>>) target(%dma_start3A_29 : memref<10240xf32, #tpu.memory_space<vmem_shared>>) offsets(%dma_start3A_27 : memref<128xi32, #tpu.memory_space<vmem>>) semaphore(%run_scoped3A : memref<!tpu.dma_semaphore, #tpu.memory_space<semaphore_mem>>) {add = true}
        %dma_wait3A = arith.constant 0 : i32
        %dma_wait3A_30 = tpu.memref_slice %arg4[%scan3A_25, %dma_wait3A] : memref<79x128xi32, #tpu.memory_space<vmem>> -> memref<1x128xi32, #tpu.memory_space<vmem>>
        %dma_wait3A_31 = tpu.memref_squeeze %dma_wait3A_30 : memref<1x128xi32, #tpu.memory_space<vmem>> -> memref<128xi32, #tpu.memory_space<vmem>>
        %dma_wait3A_32 = arith.constant 0 : i32
        %dma_wait3A_33 = tpu.memref_slice %arg7[%dma_wait3A_32] : memref<10240xf32, #tpu.memory_space<vmem_shared>> -> memref<10240xf32, #tpu.memory_space<vmem_shared>>
        tpu.wait_indirect_dma semaphore(%run_scoped3A : memref<!tpu.dma_semaphore, #tpu.memory_space<semaphore_mem>>) src(%arg5 : memref<128xf32, #tpu.memory_space<vmem>>) dst(%dma_wait3A_33 : memref<10240xf32, #tpu.memory_space<vmem_shared>>)
        tpu.yield
      }) : () -> ()
    }
    %scan3A_19 = arith.constant 79 : i32
    %barrier3A_20 = arith.constant 0 : index
    tpu.barrier barrier_id(%barrier3A_20)
    %mul3A_21 = arith.constant 640 : i32
    %mul3A_22 = arith.muli %arg1, %mul3A_21 : i32
    %mul3A_23 = arith.constant 640 : i32
    %mul3A_24 = arith.muli %arg1, %mul3A_23 : i32
    "tpu.region"() ({
      %run_scoped3A = tpu.sem_alloc : memref<!tpu.dma_semaphore, #tpu.memory_space<semaphore_mem>>
      %dma_start3A = arith.constant 0 : i32
      %dma_start3A_25 = tpu.memref_slice %arg3[%arg0, %dma_start3A] : memref<2x10240xf32, #tpu.memory_space<hbm>> -> memref<1x10240xf32, #tpu.memory_space<hbm>>
      %dma_start3A_26 = tpu.memref_squeeze %dma_start3A_25 : memref<1x10240xf32, #tpu.memory_space<hbm>> -> memref<10240xf32, #tpu.memory_space<hbm>>
      %dma_start3A_27 = tpu.memref_slice %dma_start3A_26[%mul3A_24] : memref<10240xf32, #tpu.memory_space<hbm>> -> memref<640xf32, #tpu.memory_space<hbm>>
      %dma_start3A_28 = tpu.memref_slice %arg7[%mul3A_22] : memref<10240xf32, #tpu.memory_space<vmem_shared>> -> memref<640xf32, #tpu.memory_space<vmem_shared>>
      tpu.enqueue_dma source(%dma_start3A_28 : memref<640xf32, #tpu.memory_space<vmem_shared>>) target(%dma_start3A_27 : memref<640xf32, #tpu.memory_space<hbm>>) target_semaphore(%run_scoped3A : memref<!tpu.dma_semaphore, #tpu.memory_space<semaphore_mem>>)
      %dma_wait3A = arith.constant 0 : i32
      %dma_wait3A_29 = tpu.memref_slice %arg3[%arg0, %dma_wait3A] : memref<2x10240xf32, #tpu.memory_space<hbm>> -> memref<1x10240xf32, #tpu.memory_space<hbm>>
      %dma_wait3A_30 = tpu.memref_squeeze %dma_wait3A_29 : memref<1x10240xf32, #tpu.memory_space<hbm>> -> memref<10240xf32, #tpu.memory_space<hbm>>
      %dma_wait3A_31 = tpu.memref_slice %dma_wait3A_30[%mul3A_24] : memref<10240xf32, #tpu.memory_space<hbm>> -> memref<640xf32, #tpu.memory_space<hbm>>
      %dma_wait3A_32 = tpu.memref_slice %arg7[%mul3A_22] : memref<10240xf32, #tpu.memory_space<vmem_shared>> -> memref<640xf32, #tpu.memory_space<vmem_shared>>
      tpu.wait_dma2 semaphore(%run_scoped3A : memref<!tpu.dma_semaphore, #tpu.memory_space<semaphore_mem>>) src(%dma_wait3A_32 : memref<640xf32, #tpu.memory_space<vmem_shared>>) dst(%dma_wait3A_31 : memref<640xf32, #tpu.memory_space<hbm>>)
      tpu.yield
    }) : () -> ()
    return
  }
}

#map = affine_map<(d0, d1) -> (0, 0)>
#map1 = affine_map<(d0, d1) -> (0, 0, 0)>
module attributes {stable_mosaic.version = 14 : i64} {
  func.func @sc_kernel(%arg0: i32, %arg1: i32, %arg2: memref<10000x128xf32, #tpu.memory_space<hbm>>, %arg3: memref<32x79x128xi32, #tpu.memory_space<hbm>>, %arg4: memref<32x79x128xi32, #tpu.memory_space<hbm>>, %arg5: memref<2x10112x128xf32, #tpu.memory_space<hbm>>, %arg6: memref<79x128xi32, #tpu.memory_space<vmem>>, %arg7: memref<79x128xi32, #tpu.memory_space<vmem>>, %arg8: memref<128x128xf32, #tpu.memory_space<vmem>>, %arg9: memref<10112x128xf32, #tpu.memory_space<vmem_shared>>, %arg10: memref<!tpu.dma_semaphore, #tpu.memory_space<semaphore_mem>>) attributes {dimension_semantics = [#tpu.dimension_semantics<core_parallel>, #tpu.dimension_semantics<subcore_parallel>], iteration_bounds = array<i64: 2, 16>, scalar_prefetch = 0 : i64, scratch_operands = 5 : i64, tpu.core_type = #tpu.core_type<sc_vector_subcore>, window_params = [{transform_indices = #map}, {transform_indices = #map1}, {transform_indices = #map1}, {transform_indices = #map1}]} {
    %mul3A = arith.constant 16 : i32
    %mul3A_0 = arith.muli %arg0, %mul3A : i32
    %add3A = arith.addi %mul3A_0, %arg1 : i32
    %scan3A = arith.constant 0 : i32
    %scan3A_1 = arith.constant 0 : i32
    %scan3A_2 = arith.constant 128 : i32
    %scan3A_3 = arith.addi %scan3A_1, %scan3A_2 : i32
    %scan3A_4 = arith.constant 1 : i32
    scf.for %scan3A_37 = %scan3A_1 to %scan3A_3 step %scan3A_4  : i32 {
      %scan3A_38 = arith.constant 0 : i32
      %scan3A_39 = arith.constant 0 : i32
      %scan3A_40 = arith.constant 8 : i32
      %scan3A_41 = arith.addi %scan3A_39, %scan3A_40 : i32
      %scan3A_42 = arith.constant 1 : i32
      scf.for %scan3A_44 = %scan3A_39 to %scan3A_41 step %scan3A_42  : i32 {
        %broadcast_in_dim3A = arith.constant 0.000000e+00 : f32
        %broadcast_in_dim3A_45 = vector.broadcast %broadcast_in_dim3A : f32 to vector<16xf32>
        %mul3A_46 = arith.constant 16 : i32
        %mul3A_47 = arith.muli %scan3A_44, %mul3A_46 : i32
        %swap3A = arith.index_cast %scan3A_37 : i32 to index
        %swap3A_48 = arith.index_cast %mul3A_47 : i32 to index
        %swap3A_49 = tpu.vector_load %arg8[%swap3A, %swap3A_48] {strides = array<i32>} : memref<128x128xf32, #tpu.memory_space<vmem>>, vector<1x16xf32>,
        %swap3A_50 = vector.shape_cast %swap3A_49 : vector<1x16xf32> to vector<16xf32>
        %swap3A_51 = vector.shape_cast %broadcast_in_dim3A_45 : vector<16xf32> to vector<1x16xf32>
        tpu.vector_store %arg8[%swap3A, %swap3A_48], %swap3A_51 {strides = array<i32>} : memref<128x128xf32, #tpu.memory_space<vmem>>, vector<1x16xf32>,
      }
      %scan3A_43 = arith.constant 8 : i32
    }
    %scan3A_5 = arith.constant 128 : i32
    %mul3A_6 = arith.constant 632 : i32
    %mul3A_7 = arith.muli %arg1, %mul3A_6 : i32
    %add3A_8 = arith.constant 0 : i32
    %add3A_9 = arith.addi %mul3A_7, %add3A_8 : i32
    "tpu.region"() ({
      %run_scoped3A = tpu.sem_alloc : memref<!tpu.dma_semaphore, #tpu.memory_space<semaphore_mem>>
      %dma_start3A = arith.constant 0 : i32
      %dma_start3A_37 = arith.constant 0 : i32
      %dma_start3A_38 = tpu.memref_slice %arg8[%dma_start3A, %dma_start3A_37] : memref<128x128xf32, #tpu.memory_space<vmem>> -> memref<128x128xf32, #tpu.memory_space<vmem>>
      %dma_start3A_39 = arith.constant 0 : i32
      %dma_start3A_40 = tpu.memref_slice %arg9[%add3A_9, %dma_start3A_39] : memref<10112x128xf32, #tpu.memory_space<vmem_shared>> -> memref<128x128xf32, #tpu.memory_space<vmem_shared>>
      %dma_start3A_41 = arith.constant 0 : i32
      %dma_start3A_42 = tpu.memref_slice %arg9[%add3A_9, %dma_start3A_41] : memref<10112x128xf32, #tpu.memory_space<vmem_shared>> -> memref<128x128xf32, #tpu.memory_space<vmem_shared>>
      %dma_start3A_43 = arith.constant 0 : i32
      %dma_start3A_44 = arith.constant 0 : i32
      %dma_start3A_45 = tpu.memref_slice %arg8[%dma_start3A_43, %dma_start3A_44] : memref<128x128xf32, #tpu.memory_space<vmem>> -> memref<128x128xf32, #tpu.memory_space<vmem>>
      tpu.enqueue_dma source(%dma_start3A_45 : memref<128x128xf32, #tpu.memory_space<vmem>>) target(%dma_start3A_42 : memref<128x128xf32, #tpu.memory_space<vmem_shared>>) target_semaphore(%run_scoped3A : memref<!tpu.dma_semaphore, #tpu.memory_space<semaphore_mem>>)
      %dma_wait3A = arith.constant 0 : i32
      %dma_wait3A_46 = arith.constant 0 : i32
      %dma_wait3A_47 = tpu.memref_slice %arg8[%dma_wait3A, %dma_wait3A_46] : memref<128x128xf32, #tpu.memory_space<vmem>> -> memref<128x128xf32, #tpu.memory_space<vmem>>
      %dma_wait3A_48 = arith.constant 0 : i32
      %dma_wait3A_49 = tpu.memref_slice %arg9[%add3A_9, %dma_wait3A_48] : memref<10112x128xf32, #tpu.memory_space<vmem_shared>> -> memref<128x128xf32, #tpu.memory_space<vmem_shared>>
      %dma_wait3A_50 = arith.constant 0 : i32
      %dma_wait3A_51 = tpu.memref_slice %arg9[%add3A_9, %dma_wait3A_50] : memref<10112x128xf32, #tpu.memory_space<vmem_shared>> -> memref<128x128xf32, #tpu.memory_space<vmem_shared>>
      %dma_wait3A_52 = arith.constant 0 : i32
      %dma_wait3A_53 = arith.constant 0 : i32
      %dma_wait3A_54 = tpu.memref_slice %arg8[%dma_wait3A_52, %dma_wait3A_53] : memref<128x128xf32, #tpu.memory_space<vmem>> -> memref<128x128xf32, #tpu.memory_space<vmem>>
      tpu.wait_dma2 semaphore(%run_scoped3A : memref<!tpu.dma_semaphore, #tpu.memory_space<semaphore_mem>>) src(%dma_wait3A_54 : memref<128x128xf32, #tpu.memory_space<vmem>>) dst(%dma_wait3A_51 : memref<128x128xf32, #tpu.memory_space<vmem_shared>>)
      tpu.yield
    }) : () -> ()
    %mul3A_10 = arith.constant 632 : i32
    %mul3A_11 = arith.muli %arg1, %mul3A_10 : i32
    %add3A_12 = arith.constant 128 : i32
    %add3A_13 = arith.addi %mul3A_11, %add3A_12 : i32
    "tpu.region"() ({
      %run_scoped3A = tpu.sem_alloc : memref<!tpu.dma_semaphore, #tpu.memory_space<semaphore_mem>>
      %dma_start3A = arith.constant 0 : i32
      %dma_start3A_37 = arith.constant 0 : i32
      %dma_start3A_38 = tpu.memref_slice %arg8[%dma_start3A, %dma_start3A_37] : memref<128x128xf32, #tpu.memory_space<vmem>> -> memref<128x128xf32, #tpu.memory_space<vmem>>
      %dma_start3A_39 = arith.constant 0 : i32
      %dma_start3A_40 = tpu.memref_slice %arg9[%add3A_13, %dma_start3A_39] : memref<10112x128xf32, #tpu.memory_space<vmem_shared>> -> memref<128x128xf32, #tpu.memory_space<vmem_shared>>
      %dma_start3A_41 = arith.constant 0 : i32
      %dma_start3A_42 = tpu.memref_slice %arg9[%add3A_13, %dma_start3A_41] : memref<10112x128xf32, #tpu.memory_space<vmem_shared>> -> memref<128x128xf32, #tpu.memory_space<vmem_shared>>
      %dma_start3A_43 = arith.constant 0 : i32
      %dma_start3A_44 = arith.constant 0 : i32
      %dma_start3A_45 = tpu.memref_slice %arg8[%dma_start3A_43, %dma_start3A_44] : memref<128x128xf32, #tpu.memory_space<vmem>> -> memref<128x128xf32, #tpu.memory_space<vmem>>
      tpu.enqueue_dma source(%dma_start3A_45 : memref<128x128xf32, #tpu.memory_space<vmem>>) target(%dma_start3A_42 : memref<128x128xf32, #tpu.memory_space<vmem_shared>>) target_semaphore(%run_scoped3A : memref<!tpu.dma_semaphore, #tpu.memory_space<semaphore_mem>>)
      %dma_wait3A = arith.constant 0 : i32
      %dma_wait3A_46 = arith.constant 0 : i32
      %dma_wait3A_47 = tpu.memref_slice %arg8[%dma_wait3A, %dma_wait3A_46] : memref<128x128xf32, #tpu.memory_space<vmem>> -> memref<128x128xf32, #tpu.memory_space<vmem>>
      %dma_wait3A_48 = arith.constant 0 : i32
      %dma_wait3A_49 = tpu.memref_slice %arg9[%add3A_13, %dma_wait3A_48] : memref<10112x128xf32, #tpu.memory_space<vmem_shared>> -> memref<128x128xf32, #tpu.memory_space<vmem_shared>>
      %dma_wait3A_50 = arith.constant 0 : i32
      %dma_wait3A_51 = tpu.memref_slice %arg9[%add3A_13, %dma_wait3A_50] : memref<10112x128xf32, #tpu.memory_space<vmem_shared>> -> memref<128x128xf32, #tpu.memory_space<vmem_shared>>
      %dma_wait3A_52 = arith.constant 0 : i32
      %dma_wait3A_53 = arith.constant 0 : i32
      %dma_wait3A_54 = tpu.memref_slice %arg8[%dma_wait3A_52, %dma_wait3A_53] : memref<128x128xf32, #tpu.memory_space<vmem>> -> memref<128x128xf32, #tpu.memory_space<vmem>>
      tpu.wait_dma2 semaphore(%run_scoped3A : memref<!tpu.dma_semaphore, #tpu.memory_space<semaphore_mem>>) src(%dma_wait3A_54 : memref<128x128xf32, #tpu.memory_space<vmem>>) dst(%dma_wait3A_51 : memref<128x128xf32, #tpu.memory_space<vmem_shared>>)
      tpu.yield
    }) : () -> ()
    %mul3A_14 = arith.constant 632 : i32
    %mul3A_15 = arith.muli %arg1, %mul3A_14 : i32
    %add3A_16 = arith.constant 256 : i32
    %add3A_17 = arith.addi %mul3A_15, %add3A_16 : i32
    "tpu.region"() ({
      %run_scoped3A = tpu.sem_alloc : memref<!tpu.dma_semaphore, #tpu.memory_space<semaphore_mem>>
      %dma_start3A = arith.constant 0 : i32
      %dma_start3A_37 = arith.constant 0 : i32
      %dma_start3A_38 = tpu.memref_slice %arg8[%dma_start3A, %dma_start3A_37] : memref<128x128xf32, #tpu.memory_space<vmem>> -> memref<128x128xf32, #tpu.memory_space<vmem>>
      %dma_start3A_39 = arith.constant 0 : i32
      %dma_start3A_40 = tpu.memref_slice %arg9[%add3A_17, %dma_start3A_39] : memref<10112x128xf32, #tpu.memory_space<vmem_shared>> -> memref<128x128xf32, #tpu.memory_space<vmem_shared>>
      %dma_start3A_41 = arith.constant 0 : i32
      %dma_start3A_42 = tpu.memref_slice %arg9[%add3A_17, %dma_start3A_41] : memref<10112x128xf32, #tpu.memory_space<vmem_shared>> -> memref<128x128xf32, #tpu.memory_space<vmem_shared>>
      %dma_start3A_43 = arith.constant 0 : i32
      %dma_start3A_44 = arith.constant 0 : i32
      %dma_start3A_45 = tpu.memref_slice %arg8[%dma_start3A_43, %dma_start3A_44] : memref<128x128xf32, #tpu.memory_space<vmem>> -> memref<128x128xf32, #tpu.memory_space<vmem>>
      tpu.enqueue_dma source(%dma_start3A_45 : memref<128x128xf32, #tpu.memory_space<vmem>>) target(%dma_start3A_42 : memref<128x128xf32, #tpu.memory_space<vmem_shared>>) target_semaphore(%run_scoped3A : memref<!tpu.dma_semaphore, #tpu.memory_space<semaphore_mem>>)
      %dma_wait3A = arith.constant 0 : i32
      %dma_wait3A_46 = arith.constant 0 : i32
      %dma_wait3A_47 = tpu.memref_slice %arg8[%dma_wait3A, %dma_wait3A_46] : memref<128x128xf32, #tpu.memory_space<vmem>> -> memref<128x128xf32, #tpu.memory_space<vmem>>
      %dma_wait3A_48 = arith.constant 0 : i32
      %dma_wait3A_49 = tpu.memref_slice %arg9[%add3A_17, %dma_wait3A_48] : memref<10112x128xf32, #tpu.memory_space<vmem_shared>> -> memref<128x128xf32, #tpu.memory_space<vmem_shared>>
      %dma_wait3A_50 = arith.constant 0 : i32
      %dma_wait3A_51 = tpu.memref_slice %arg9[%add3A_17, %dma_wait3A_50] : memref<10112x128xf32, #tpu.memory_space<vmem_shared>> -> memref<128x128xf32, #tpu.memory_space<vmem_shared>>
      %dma_wait3A_52 = arith.constant 0 : i32
      %dma_wait3A_53 = arith.constant 0 : i32
      %dma_wait3A_54 = tpu.memref_slice %arg8[%dma_wait3A_52, %dma_wait3A_53] : memref<128x128xf32, #tpu.memory_space<vmem>> -> memref<128x128xf32, #tpu.memory_space<vmem>>
      tpu.wait_dma2 semaphore(%run_scoped3A : memref<!tpu.dma_semaphore, #tpu.memory_space<semaphore_mem>>) src(%dma_wait3A_54 : memref<128x128xf32, #tpu.memory_space<vmem>>) dst(%dma_wait3A_51 : memref<128x128xf32, #tpu.memory_space<vmem_shared>>)
      tpu.yield
    }) : () -> ()
    %mul3A_18 = arith.constant 632 : i32
    %mul3A_19 = arith.muli %arg1, %mul3A_18 : i32
    %add3A_20 = arith.constant 384 : i32
    %add3A_21 = arith.addi %mul3A_19, %add3A_20 : i32
    "tpu.region"() ({
      %run_scoped3A = tpu.sem_alloc : memref<!tpu.dma_semaphore, #tpu.memory_space<semaphore_mem>>
      %dma_start3A = arith.constant 0 : i32
      %dma_start3A_37 = arith.constant 0 : i32
      %dma_start3A_38 = tpu.memref_slice %arg8[%dma_start3A, %dma_start3A_37] : memref<128x128xf32, #tpu.memory_space<vmem>> -> memref<128x128xf32, #tpu.memory_space<vmem>>
      %dma_start3A_39 = arith.constant 0 : i32
      %dma_start3A_40 = tpu.memref_slice %arg9[%add3A_21, %dma_start3A_39] : memref<10112x128xf32, #tpu.memory_space<vmem_shared>> -> memref<128x128xf32, #tpu.memory_space<vmem_shared>>
      %dma_start3A_41 = arith.constant 0 : i32
      %dma_start3A_42 = tpu.memref_slice %arg9[%add3A_21, %dma_start3A_41] : memref<10112x128xf32, #tpu.memory_space<vmem_shared>> -> memref<128x128xf32, #tpu.memory_space<vmem_shared>>
      %dma_start3A_43 = arith.constant 0 : i32
      %dma_start3A_44 = arith.constant 0 : i32
      %dma_start3A_45 = tpu.memref_slice %arg8[%dma_start3A_43, %dma_start3A_44] : memref<128x128xf32, #tpu.memory_space<vmem>> -> memref<128x128xf32, #tpu.memory_space<vmem>>
      tpu.enqueue_dma source(%dma_start3A_45 : memref<128x128xf32, #tpu.memory_space<vmem>>) target(%dma_start3A_42 : memref<128x128xf32, #tpu.memory_space<vmem_shared>>) target_semaphore(%run_scoped3A : memref<!tpu.dma_semaphore, #tpu.memory_space<semaphore_mem>>)
      %dma_wait3A = arith.constant 0 : i32
      %dma_wait3A_46 = arith.constant 0 : i32
      %dma_wait3A_47 = tpu.memref_slice %arg8[%dma_wait3A, %dma_wait3A_46] : memref<128x128xf32, #tpu.memory_space<vmem>> -> memref<128x128xf32, #tpu.memory_space<vmem>>
      %dma_wait3A_48 = arith.constant 0 : i32
      %dma_wait3A_49 = tpu.memref_slice %arg9[%add3A_21, %dma_wait3A_48] : memref<10112x128xf32, #tpu.memory_space<vmem_shared>> -> memref<128x128xf32, #tpu.memory_space<vmem_shared>>
      %dma_wait3A_50 = arith.constant 0 : i32
      %dma_wait3A_51 = tpu.memref_slice %arg9[%add3A_21, %dma_wait3A_50] : memref<10112x128xf32, #tpu.memory_space<vmem_shared>> -> memref<128x128xf32, #tpu.memory_space<vmem_shared>>
      %dma_wait3A_52 = arith.constant 0 : i32
      %dma_wait3A_53 = arith.constant 0 : i32
      %dma_wait3A_54 = tpu.memref_slice %arg8[%dma_wait3A_52, %dma_wait3A_53] : memref<128x128xf32, #tpu.memory_space<vmem>> -> memref<128x128xf32, #tpu.memory_space<vmem>>
      tpu.wait_dma2 semaphore(%run_scoped3A : memref<!tpu.dma_semaphore, #tpu.memory_space<semaphore_mem>>) src(%dma_wait3A_54 : memref<128x128xf32, #tpu.memory_space<vmem>>) dst(%dma_wait3A_51 : memref<128x128xf32, #tpu.memory_space<vmem_shared>>)
      tpu.yield
    }) : () -> ()
    %mul3A_22 = arith.constant 632 : i32
    %mul3A_23 = arith.muli %arg1, %mul3A_22 : i32
    %add3A_24 = arith.constant 512 : i32
    %add3A_25 = arith.addi %mul3A_23, %add3A_24 : i32
    "tpu.region"() ({
      %run_scoped3A = tpu.sem_alloc : memref<!tpu.dma_semaphore, #tpu.memory_space<semaphore_mem>>
      %dma_start3A = arith.constant 0 : i32
      %dma_start3A_37 = arith.constant 0 : i32
      %dma_start3A_38 = tpu.memref_slice %arg8[%dma_start3A, %dma_start3A_37] : memref<128x128xf32, #tpu.memory_space<vmem>> -> memref<120x128xf32, #tpu.memory_space<vmem>>
      %dma_start3A_39 = arith.constant 0 : i32
      %dma_start3A_40 = tpu.memref_slice %arg9[%add3A_25, %dma_start3A_39] : memref<10112x128xf32, #tpu.memory_space<vmem_shared>> -> memref<120x128xf32, #tpu.memory_space<vmem_shared>>
      %dma_start3A_41 = arith.constant 0 : i32
      %dma_start3A_42 = tpu.memref_slice %arg9[%add3A_25, %dma_start3A_41] : memref<10112x128xf32, #tpu.memory_space<vmem_shared>> -> memref<120x128xf32, #tpu.memory_space<vmem_shared>>
      %dma_start3A_43 = arith.constant 0 : i32
      %dma_start3A_44 = arith.constant 0 : i32
      %dma_start3A_45 = tpu.memref_slice %arg8[%dma_start3A_43, %dma_start3A_44] : memref<128x128xf32, #tpu.memory_space<vmem>> -> memref<120x128xf32, #tpu.memory_space<vmem>>
      tpu.enqueue_dma source(%dma_start3A_45 : memref<120x128xf32, #tpu.memory_space<vmem>>) target(%dma_start3A_42 : memref<120x128xf32, #tpu.memory_space<vmem_shared>>) target_semaphore(%run_scoped3A : memref<!tpu.dma_semaphore, #tpu.memory_space<semaphore_mem>>)
      %dma_wait3A = arith.constant 0 : i32
      %dma_wait3A_46 = arith.constant 0 : i32
      %dma_wait3A_47 = tpu.memref_slice %arg8[%dma_wait3A, %dma_wait3A_46] : memref<128x128xf32, #tpu.memory_space<vmem>> -> memref<120x128xf32, #tpu.memory_space<vmem>>
      %dma_wait3A_48 = arith.constant 0 : i32
      %dma_wait3A_49 = tpu.memref_slice %arg9[%add3A_25, %dma_wait3A_48] : memref<10112x128xf32, #tpu.memory_space<vmem_shared>> -> memref<120x128xf32, #tpu.memory_space<vmem_shared>>
      %dma_wait3A_50 = arith.constant 0 : i32
      %dma_wait3A_51 = tpu.memref_slice %arg9[%add3A_25, %dma_wait3A_50] : memref<10112x128xf32, #tpu.memory_space<vmem_shared>> -> memref<120x128xf32, #tpu.memory_space<vmem_shared>>
      %dma_wait3A_52 = arith.constant 0 : i32
      %dma_wait3A_53 = arith.constant 0 : i32
      %dma_wait3A_54 = tpu.memref_slice %arg8[%dma_wait3A_52, %dma_wait3A_53] : memref<128x128xf32, #tpu.memory_space<vmem>> -> memref<120x128xf32, #tpu.memory_space<vmem>>
      tpu.wait_dma2 semaphore(%run_scoped3A : memref<!tpu.dma_semaphore, #tpu.memory_space<semaphore_mem>>) src(%dma_wait3A_54 : memref<120x128xf32, #tpu.memory_space<vmem>>) dst(%dma_wait3A_51 : memref<120x128xf32, #tpu.memory_space<vmem_shared>>)
      tpu.yield
    }) : () -> ()
    "tpu.region"() ({
      %run_scoped3A = tpu.sem_alloc : memref<!tpu.dma_semaphore, #tpu.memory_space<semaphore_mem>>
      %dma_start3A = arith.constant 0 : i32
      %dma_start3A_37 = arith.constant 0 : i32
      %dma_start3A_38 = tpu.memref_slice %arg3[%add3A, %dma_start3A, %dma_start3A_37] : memref<32x79x128xi32, #tpu.memory_space<hbm>> -> memref<1x79x128xi32, #tpu.memory_space<hbm>>
      %dma_start3A_39 = tpu.memref_squeeze %dma_start3A_38 : memref<1x79x128xi32, #tpu.memory_space<hbm>> -> memref<79x128xi32, #tpu.memory_space<hbm>>
      %dma_start3A_40 = arith.constant 0 : i32
      %dma_start3A_41 = arith.constant 0 : i32
      %dma_start3A_42 = tpu.memref_slice %arg3[%add3A, %dma_start3A_40, %dma_start3A_41] : memref<32x79x128xi32, #tpu.memory_space<hbm>> -> memref<1x79x128xi32, #tpu.memory_space<hbm>>
      %dma_start3A_43 = tpu.memref_squeeze %dma_start3A_42 : memref<1x79x128xi32, #tpu.memory_space<hbm>> -> memref<79x128xi32, #tpu.memory_space<hbm>>
      tpu.enqueue_dma source(%dma_start3A_43 : memref<79x128xi32, #tpu.memory_space<hbm>>) target(%arg6 : memref<79x128xi32, #tpu.memory_space<vmem>>) target_semaphore(%run_scoped3A : memref<!tpu.dma_semaphore, #tpu.memory_space<semaphore_mem>>)
      %dma_wait3A = arith.constant 0 : i32
      %dma_wait3A_44 = arith.constant 0 : i32
      %dma_wait3A_45 = tpu.memref_slice %arg3[%add3A, %dma_wait3A, %dma_wait3A_44] : memref<32x79x128xi32, #tpu.memory_space<hbm>> -> memref<1x79x128xi32, #tpu.memory_space<hbm>>
      %dma_wait3A_46 = tpu.memref_squeeze %dma_wait3A_45 : memref<1x79x128xi32, #tpu.memory_space<hbm>> -> memref<79x128xi32, #tpu.memory_space<hbm>>
      %dma_wait3A_47 = arith.constant 0 : i32
      %dma_wait3A_48 = arith.constant 0 : i32
      %dma_wait3A_49 = tpu.memref_slice %arg3[%add3A, %dma_wait3A_47, %dma_wait3A_48] : memref<32x79x128xi32, #tpu.memory_space<hbm>> -> memref<1x79x128xi32, #tpu.memory_space<hbm>>
      %dma_wait3A_50 = tpu.memref_squeeze %dma_wait3A_49 : memref<1x79x128xi32, #tpu.memory_space<hbm>> -> memref<79x128xi32, #tpu.memory_space<hbm>>
      tpu.wait_dma2 semaphore(%run_scoped3A : memref<!tpu.dma_semaphore, #tpu.memory_space<semaphore_mem>>) src(%dma_wait3A_50 : memref<79x128xi32, #tpu.memory_space<hbm>>) dst(%arg6 : memref<79x128xi32, #tpu.memory_space<vmem>>)
      tpu.yield
    }) : () -> ()
    "tpu.region"() ({
      %run_scoped3A = tpu.sem_alloc : memref<!tpu.dma_semaphore, #tpu.memory_space<semaphore_mem>>
      %dma_start3A = arith.constant 0 : i32
      %dma_start3A_37 = arith.constant 0 : i32
      %dma_start3A_38 = tpu.memref_slice %arg4[%add3A, %dma_start3A, %dma_start3A_37] : memref<32x79x128xi32, #tpu.memory_space<hbm>> -> memref<1x79x128xi32, #tpu.memory_space<hbm>>
      %dma_start3A_39 = tpu.memref_squeeze %dma_start3A_38 : memref<1x79x128xi32, #tpu.memory_space<hbm>> -> memref<79x128xi32, #tpu.memory_space<hbm>>
      %dma_start3A_40 = arith.constant 0 : i32
      %dma_start3A_41 = arith.constant 0 : i32
      %dma_start3A_42 = tpu.memref_slice %arg4[%add3A, %dma_start3A_40, %dma_start3A_41] : memref<32x79x128xi32, #tpu.memory_space<hbm>> -> memref<1x79x128xi32, #tpu.memory_space<hbm>>
      %dma_start3A_43 = tpu.memref_squeeze %dma_start3A_42 : memref<1x79x128xi32, #tpu.memory_space<hbm>> -> memref<79x128xi32, #tpu.memory_space<hbm>>
      tpu.enqueue_dma source(%dma_start3A_43 : memref<79x128xi32, #tpu.memory_space<hbm>>) target(%arg7 : memref<79x128xi32, #tpu.memory_space<vmem>>) target_semaphore(%run_scoped3A : memref<!tpu.dma_semaphore, #tpu.memory_space<semaphore_mem>>)
      %dma_wait3A = arith.constant 0 : i32
      %dma_wait3A_44 = arith.constant 0 : i32
      %dma_wait3A_45 = tpu.memref_slice %arg4[%add3A, %dma_wait3A, %dma_wait3A_44] : memref<32x79x128xi32, #tpu.memory_space<hbm>> -> memref<1x79x128xi32, #tpu.memory_space<hbm>>
      %dma_wait3A_46 = tpu.memref_squeeze %dma_wait3A_45 : memref<1x79x128xi32, #tpu.memory_space<hbm>> -> memref<79x128xi32, #tpu.memory_space<hbm>>
      %dma_wait3A_47 = arith.constant 0 : i32
      %dma_wait3A_48 = arith.constant 0 : i32
      %dma_wait3A_49 = tpu.memref_slice %arg4[%add3A, %dma_wait3A_47, %dma_wait3A_48] : memref<32x79x128xi32, #tpu.memory_space<hbm>> -> memref<1x79x128xi32, #tpu.memory_space<hbm>>
      %dma_wait3A_50 = tpu.memref_squeeze %dma_wait3A_49 : memref<1x79x128xi32, #tpu.memory_space<hbm>> -> memref<79x128xi32, #tpu.memory_space<hbm>>
      tpu.wait_dma2 semaphore(%run_scoped3A : memref<!tpu.dma_semaphore, #tpu.memory_space<semaphore_mem>>) src(%dma_wait3A_50 : memref<79x128xi32, #tpu.memory_space<hbm>>) dst(%arg7 : memref<79x128xi32, #tpu.memory_space<vmem>>)
      tpu.yield
    }) : () -> ()
    %barrier3A = arith.constant 0 : index
    tpu.barrier barrier_id(%barrier3A)
    %scan3A_26 = arith.constant 0 : i32
    %scan3A_27 = arith.constant 0 : i32
    %scan3A_28 = arith.constant 79 : i32
    %scan3A_29 = arith.addi %scan3A_27, %scan3A_28 : i32
    %scan3A_30 = arith.constant 1 : i32
    scf.for %scan3A_37 = %scan3A_27 to %scan3A_29 step %scan3A_30  : i32 {
      %dma_start3A = arith.constant 0 : i32
      %dma_start3A_38 = tpu.memref_slice %arg6[%scan3A_37, %dma_start3A] : memref<79x128xi32, #tpu.memory_space<vmem>> -> memref<1x128xi32, #tpu.memory_space<vmem>>
      %dma_start3A_39 = tpu.memref_squeeze %dma_start3A_38 : memref<1x128xi32, #tpu.memory_space<vmem>> -> memref<128xi32, #tpu.memory_space<vmem>>
      %dma_start3A_40 = arith.constant 0 : i32
      %dma_start3A_41 = arith.constant 0 : i32
      %dma_start3A_42 = tpu.memref_slice %arg2[%dma_start3A_40, %dma_start3A_41] : memref<10000x128xf32, #tpu.memory_space<hbm>> -> memref<10000x128xf32, #tpu.memory_space<hbm>>
      tpu.enqueue_indirect_dma source(%dma_start3A_42 : memref<10000x128xf32, #tpu.memory_space<hbm>>) target(%arg8 : memref<128x128xf32, #tpu.memory_space<vmem>>) offsets(%dma_start3A_39 : memref<128xi32, #tpu.memory_space<vmem>>) semaphore(%arg10 : memref<!tpu.dma_semaphore, #tpu.memory_space<semaphore_mem>>)
      %dma_wait3A = arith.constant 0 : i32
      %dma_wait3A_43 = tpu.memref_slice %arg6[%scan3A_37, %dma_wait3A] : memref<79x128xi32, #tpu.memory_space<vmem>> -> memref<1x128xi32, #tpu.memory_space<vmem>>
      %dma_wait3A_44 = tpu.memref_squeeze %dma_wait3A_43 : memref<1x128xi32, #tpu.memory_space<vmem>> -> memref<128xi32, #tpu.memory_space<vmem>>
      %dma_wait3A_45 = arith.constant 0 : i32
      %dma_wait3A_46 = arith.constant 0 : i32
      %dma_wait3A_47 = tpu.memref_slice %arg2[%dma_wait3A_45, %dma_wait3A_46] : memref<10000x128xf32, #tpu.memory_space<hbm>> -> memref<10000x128xf32, #tpu.memory_space<hbm>>
      tpu.wait_indirect_dma semaphore(%arg10 : memref<!tpu.dma_semaphore, #tpu.memory_space<semaphore_mem>>) src(%dma_wait3A_47 : memref<10000x128xf32, #tpu.memory_space<hbm>>) dst(%arg8 : memref<128x128xf32, #tpu.memory_space<vmem>>)
      "tpu.region"() ({
        %run_scoped3A = tpu.sem_alloc : memref<!tpu.dma_semaphore, #tpu.memory_space<semaphore_mem>>
        %dma_start3A_48 = arith.constant 0 : i32
        %dma_start3A_49 = tpu.memref_slice %arg7[%scan3A_37, %dma_start3A_48] : memref<79x128xi32, #tpu.memory_space<vmem>> -> memref<1x128xi32, #tpu.memory_space<vmem>>
        %dma_start3A_50 = tpu.memref_squeeze %dma_start3A_49 : memref<1x128xi32, #tpu.memory_space<vmem>> -> memref<128xi32, #tpu.memory_space<vmem>>
        %dma_start3A_51 = arith.constant 0 : i32
        %dma_start3A_52 = arith.constant 0 : i32
        %dma_start3A_53 = tpu.memref_slice %arg9[%dma_start3A_51, %dma_start3A_52] : memref<10112x128xf32, #tpu.memory_space<vmem_shared>> -> memref<10112x128xf32, #tpu.memory_space<vmem_shared>>
        tpu.enqueue_indirect_dma source(%arg8 : memref<128x128xf32, #tpu.memory_space<vmem>>) target(%dma_start3A_53 : memref<10112x128xf32, #tpu.memory_space<vmem_shared>>) offsets(%dma_start3A_50 : memref<128xi32, #tpu.memory_space<vmem>>) semaphore(%run_scoped3A : memref<!tpu.dma_semaphore, #tpu.memory_space<semaphore_mem>>) {add = true}
        %dma_wait3A_54 = arith.constant 0 : i32
        %dma_wait3A_55 = tpu.memref_slice %arg7[%scan3A_37, %dma_wait3A_54] : memref<79x128xi32, #tpu.memory_space<vmem>> -> memref<1x128xi32, #tpu.memory_space<vmem>>
        %dma_wait3A_56 = tpu.memref_squeeze %dma_wait3A_55 : memref<1x128xi32, #tpu.memory_space<vmem>> -> memref<128xi32, #tpu.memory_space<vmem>>
        %dma_wait3A_57 = arith.constant 0 : i32
        %dma_wait3A_58 = arith.constant 0 : i32
        %dma_wait3A_59 = tpu.memref_slice %arg9[%dma_wait3A_57, %dma_wait3A_58] : memref<10112x128xf32, #tpu.memory_space<vmem_shared>> -> memref<10112x128xf32, #tpu.memory_space<vmem_shared>>
        tpu.wait_indirect_dma semaphore(%run_scoped3A : memref<!tpu.dma_semaphore, #tpu.memory_space<semaphore_mem>>) src(%arg8 : memref<128x128xf32, #tpu.memory_space<vmem>>) dst(%dma_wait3A_59 : memref<10112x128xf32, #tpu.memory_space<vmem_shared>>)
        tpu.yield
      }) : () -> ()
    }
    %scan3A_31 = arith.constant 79 : i32
    %barrier3A_32 = arith.constant 0 : index
    tpu.barrier barrier_id(%barrier3A_32)
    %mul3A_33 = arith.constant 632 : i32
    %mul3A_34 = arith.muli %arg1, %mul3A_33 : i32
    %mul3A_35 = arith.constant 632 : i32
    %mul3A_36 = arith.muli %arg1, %mul3A_35 : i32
    "tpu.region"() ({
      %run_scoped3A = tpu.sem_alloc : memref<!tpu.dma_semaphore, #tpu.memory_space<semaphore_mem>>
      %dma_start3A = arith.constant 0 : i32
      %dma_start3A_37 = arith.constant 0 : i32
      %dma_start3A_38 = tpu.memref_slice %arg5[%arg0, %dma_start3A, %dma_start3A_37] : memref<2x10112x128xf32, #tpu.memory_space<hbm>> -> memref<1x10112x128xf32, #tpu.memory_space<hbm>>
      %dma_start3A_39 = tpu.memref_squeeze %dma_start3A_38 : memref<1x10112x128xf32, #tpu.memory_space<hbm>> -> memref<10112x128xf32, #tpu.memory_space<hbm>>
      %dma_start3A_40 = arith.constant 0 : i32
      %dma_start3A_41 = tpu.memref_slice %dma_start3A_39[%mul3A_36, %dma_start3A_40] : memref<10112x128xf32, #tpu.memory_space<hbm>> -> memref<632x128xf32, #tpu.memory_space<hbm>>
      %dma_start3A_42 = arith.constant 0 : i32
      %dma_start3A_43 = tpu.memref_slice %arg9[%mul3A_34, %dma_start3A_42] : memref<10112x128xf32, #tpu.memory_space<vmem_shared>> -> memref<632x128xf32, #tpu.memory_space<vmem_shared>>
      tpu.enqueue_dma source(%dma_start3A_43 : memref<632x128xf32, #tpu.memory_space<vmem_shared>>) target(%dma_start3A_41 : memref<632x128xf32, #tpu.memory_space<hbm>>) target_semaphore(%run_scoped3A : memref<!tpu.dma_semaphore, #tpu.memory_space<semaphore_mem>>)
      %dma_wait3A = arith.constant 0 : i32
      %dma_wait3A_44 = arith.constant 0 : i32
      %dma_wait3A_45 = tpu.memref_slice %arg5[%arg0, %dma_wait3A, %dma_wait3A_44] : memref<2x10112x128xf32, #tpu.memory_space<hbm>> -> memref<1x10112x128xf32, #tpu.memory_space<hbm>>
      %dma_wait3A_46 = tpu.memref_squeeze %dma_wait3A_45 : memref<1x10112x128xf32, #tpu.memory_space<hbm>> -> memref<10112x128xf32, #tpu.memory_space<hbm>>
      %dma_wait3A_47 = arith.constant 0 : i32
      %dma_wait3A_48 = tpu.memref_slice %dma_wait3A_46[%mul3A_36, %dma_wait3A_47] : memref<10112x128xf32, #tpu.memory_space<hbm>> -> memref<632x128xf32, #tpu.memory_space<hbm>>
      %dma_wait3A_49 = arith.constant 0 : i32
      %dma_wait3A_50 = tpu.memref_slice %arg9[%mul3A_34, %dma_wait3A_49] : memref<10112x128xf32, #tpu.memory_space<vmem_shared>> -> memref<632x128xf32, #tpu.memory_space<vmem_shared>>
      tpu.wait_dma2 semaphore(%run_scoped3A : memref<!tpu.dma_semaphore, #tpu.memory_space<semaphore_mem>>) src(%dma_wait3A_50 : memref<632x128xf32, #tpu.memory_space<vmem_shared>>) dst(%dma_wait3A_48 : memref<632x128xf32, #tpu.memory_space<hbm>>)
      tpu.yield
    }) : () -> ()
    return
  }
}

#map = affine_map<(d0, d1) -> (0, 0)>
#map1 = affine_map<(d0, d1) -> (0, 0, 0)>
module attributes {stable_mosaic.version = 14 : i64} {
  func.func @sc_kernel(%arg0: i32, %arg1: i32, %arg2: memref<10000x128xf32, #tpu.memory_space<hbm>>, %arg3: memref<32x79x128xi32, #tpu.memory_space<hbm>>, %arg4: memref<32x79x128xi32, #tpu.memory_space<hbm>>, %arg5: memref<2x10112x128xf32, #tpu.memory_space<hbm>>, %arg6: memref<79x128xi32, #tpu.memory_space<vmem>>, %arg7: memref<79x128xi32, #tpu.memory_space<vmem>>, %arg8: memref<128x128xf32, #tpu.memory_space<vmem>>, %arg9: memref<10112x128xf32, #tpu.memory_space<vmem_shared>>, %arg10: memref<!tpu.dma_semaphore, #tpu.memory_space<semaphore_mem>>) attributes {dimension_semantics = [#tpu.dimension_semantics<core_parallel>, #tpu.dimension_semantics<subcore_parallel>], iteration_bounds = array<i64: 2, 16>, scalar_prefetch = 0 : i64, scratch_operands = 5 : i64, tpu.core_type = #tpu.core_type<sc_vector_subcore>, window_params = [{transform_indices = #map}, {transform_indices = #map1}, {transform_indices = #map1}, {transform_indices = #map1}]} {
    %mul3A = arith.constant 16 : i32
    %mul3A_0 = arith.muli %arg0, %mul3A : i32
    %add3A = arith.addi %mul3A_0, %arg1 : i32
    %scan3A = arith.constant 0 : i32
    %scan3A_1 = arith.constant 0 : i32
    %scan3A_2 = arith.constant 128 : i32
    %scan3A_3 = arith.addi %scan3A_1, %scan3A_2 : i32
    %scan3A_4 = arith.constant 1 : i32
    scf.for %scan3A_37 = %scan3A_1 to %scan3A_3 step %scan3A_4  : i32 {
      %scan3A_38 = arith.constant 0 : i32
      %scan3A_39 = arith.constant 0 : i32
      %scan3A_40 = arith.constant 8 : i32
      %scan3A_41 = arith.addi %scan3A_39, %scan3A_40 : i32
      %scan3A_42 = arith.constant 1 : i32
      scf.for %scan3A_44 = %scan3A_39 to %scan3A_41 step %scan3A_42  : i32 {
        %broadcast_in_dim3A = arith.constant 0.000000e+00 : f32
        %broadcast_in_dim3A_45 = vector.broadcast %broadcast_in_dim3A : f32 to vector<16xf32>
        %mul3A_46 = arith.constant 16 : i32
        %mul3A_47 = arith.muli %scan3A_44, %mul3A_46 : i32
        %swap3A = arith.index_cast %scan3A_37 : i32 to index
        %swap3A_48 = arith.index_cast %mul3A_47 : i32 to index
        %swap3A_49 = tpu.vector_load %arg8[%swap3A, %swap3A_48] {strides = array<i32>} : memref<128x128xf32, #tpu.memory_space<vmem>>, vector<1x16xf32>,
        %swap3A_50 = vector.shape_cast %swap3A_49 : vector<1x16xf32> to vector<16xf32>
        %swap3A_51 = vector.shape_cast %broadcast_in_dim3A_45 : vector<16xf32> to vector<1x16xf32>
        tpu.vector_store %arg8[%swap3A, %swap3A_48], %swap3A_51 {strides = array<i32>} : memref<128x128xf32, #tpu.memory_space<vmem>>, vector<1x16xf32>,
      }
      %scan3A_43 = arith.constant 8 : i32
    }
    %scan3A_5 = arith.constant 128 : i32
    %mul3A_6 = arith.constant 632 : i32
    %mul3A_7 = arith.muli %arg1, %mul3A_6 : i32
    %add3A_8 = arith.constant 0 : i32
    %add3A_9 = arith.addi %mul3A_7, %add3A_8 : i32
    "tpu.region"() ({
      %run_scoped3A = tpu.sem_alloc : memref<!tpu.dma_semaphore, #tpu.memory_space<semaphore_mem>>
      %dma_start3A = arith.constant 0 : i32
      %dma_start3A_37 = arith.constant 0 : i32
      %dma_start3A_38 = tpu.memref_slice %arg8[%dma_start3A, %dma_start3A_37] : memref<128x128xf32, #tpu.memory_space<vmem>> -> memref<128x128xf32, #tpu.memory_space<vmem>>
      %dma_start3A_39 = arith.constant 0 : i32
      %dma_start3A_40 = tpu.memref_slice %arg9[%add3A_9, %dma_start3A_39] : memref<10112x128xf32, #tpu.memory_space<vmem_shared>> -> memref<128x128xf32, #tpu.memory_space<vmem_shared>>
      %dma_start3A_41 = arith.constant 0 : i32
      %dma_start3A_42 = tpu.memref_slice %arg9[%add3A_9, %dma_start3A_41] : memref<10112x128xf32, #tpu.memory_space<vmem_shared>> -> memref<128x128xf32, #tpu.memory_space<vmem_shared>>
      %dma_start3A_43 = arith.constant 0 : i32
      %dma_start3A_44 = arith.constant 0 : i32
      %dma_start3A_45 = tpu.memref_slice %arg8[%dma_start3A_43, %dma_start3A_44] : memref<128x128xf32, #tpu.memory_space<vmem>> -> memref<128x128xf32, #tpu.memory_space<vmem>>
      tpu.enqueue_dma source(%dma_start3A_45 : memref<128x128xf32, #tpu.memory_space<vmem>>) target(%dma_start3A_42 : memref<128x128xf32, #tpu.memory_space<vmem_shared>>) target_semaphore(%run_scoped3A : memref<!tpu.dma_semaphore, #tpu.memory_space<semaphore_mem>>)
      %dma_wait3A = arith.constant 0 : i32
      %dma_wait3A_46 = arith.constant 0 : i32
      %dma_wait3A_47 = tpu.memref_slice %arg8[%dma_wait3A, %dma_wait3A_46] : memref<128x128xf32, #tpu.memory_space<vmem>> -> memref<128x128xf32, #tpu.memory_space<vmem>>
      %dma_wait3A_48 = arith.constant 0 : i32
      %dma_wait3A_49 = tpu.memref_slice %arg9[%add3A_9, %dma_wait3A_48] : memref<10112x128xf32, #tpu.memory_space<vmem_shared>> -> memref<128x128xf32, #tpu.memory_space<vmem_shared>>
      %dma_wait3A_50 = arith.constant 0 : i32
      %dma_wait3A_51 = tpu.memref_slice %arg9[%add3A_9, %dma_wait3A_50] : memref<10112x128xf32, #tpu.memory_space<vmem_shared>> -> memref<128x128xf32, #tpu.memory_space<vmem_shared>>
      %dma_wait3A_52 = arith.constant 0 : i32
      %dma_wait3A_53 = arith.constant 0 : i32
      %dma_wait3A_54 = tpu.memref_slice %arg8[%dma_wait3A_52, %dma_wait3A_53] : memref<128x128xf32, #tpu.memory_space<vmem>> -> memref<128x128xf32, #tpu.memory_space<vmem>>
      tpu.wait_dma2 semaphore(%run_scoped3A : memref<!tpu.dma_semaphore, #tpu.memory_space<semaphore_mem>>) src(%dma_wait3A_54 : memref<128x128xf32, #tpu.memory_space<vmem>>) dst(%dma_wait3A_51 : memref<128x128xf32, #tpu.memory_space<vmem_shared>>)
      tpu.yield
    }) : () -> ()
    %mul3A_10 = arith.constant 632 : i32
    %mul3A_11 = arith.muli %arg1, %mul3A_10 : i32
    %add3A_12 = arith.constant 128 : i32
    %add3A_13 = arith.addi %mul3A_11, %add3A_12 : i32
    "tpu.region"() ({
      %run_scoped3A = tpu.sem_alloc : memref<!tpu.dma_semaphore, #tpu.memory_space<semaphore_mem>>
      %dma_start3A = arith.constant 0 : i32
      %dma_start3A_37 = arith.constant 0 : i32
      %dma_start3A_38 = tpu.memref_slice %arg8[%dma_start3A, %dma_start3A_37] : memref<128x128xf32, #tpu.memory_space<vmem>> -> memref<128x128xf32, #tpu.memory_space<vmem>>
      %dma_start3A_39 = arith.constant 0 : i32
      %dma_start3A_40 = tpu.memref_slice %arg9[%add3A_13, %dma_start3A_39] : memref<10112x128xf32, #tpu.memory_space<vmem_shared>> -> memref<128x128xf32, #tpu.memory_space<vmem_shared>>
      %dma_start3A_41 = arith.constant 0 : i32
      %dma_start3A_42 = tpu.memref_slice %arg9[%add3A_13, %dma_start3A_41] : memref<10112x128xf32, #tpu.memory_space<vmem_shared>> -> memref<128x128xf32, #tpu.memory_space<vmem_shared>>
      %dma_start3A_43 = arith.constant 0 : i32
      %dma_start3A_44 = arith.constant 0 : i32
      %dma_start3A_45 = tpu.memref_slice %arg8[%dma_start3A_43, %dma_start3A_44] : memref<128x128xf32, #tpu.memory_space<vmem>> -> memref<128x128xf32, #tpu.memory_space<vmem>>
      tpu.enqueue_dma source(%dma_start3A_45 : memref<128x128xf32, #tpu.memory_space<vmem>>) target(%dma_start3A_42 : memref<128x128xf32, #tpu.memory_space<vmem_shared>>) target_semaphore(%run_scoped3A : memref<!tpu.dma_semaphore, #tpu.memory_space<semaphore_mem>>)
      %dma_wait3A = arith.constant 0 : i32
      %dma_wait3A_46 = arith.constant 0 : i32
      %dma_wait3A_47 = tpu.memref_slice %arg8[%dma_wait3A, %dma_wait3A_46] : memref<128x128xf32, #tpu.memory_space<vmem>> -> memref<128x128xf32, #tpu.memory_space<vmem>>
      %dma_wait3A_48 = arith.constant 0 : i32
      %dma_wait3A_49 = tpu.memref_slice %arg9[%add3A_13, %dma_wait3A_48] : memref<10112x128xf32, #tpu.memory_space<vmem_shared>> -> memref<128x128xf32, #tpu.memory_space<vmem_shared>>
      %dma_wait3A_50 = arith.constant 0 : i32
      %dma_wait3A_51 = tpu.memref_slice %arg9[%add3A_13, %dma_wait3A_50] : memref<10112x128xf32, #tpu.memory_space<vmem_shared>> -> memref<128x128xf32, #tpu.memory_space<vmem_shared>>
      %dma_wait3A_52 = arith.constant 0 : i32
      %dma_wait3A_53 = arith.constant 0 : i32
      %dma_wait3A_54 = tpu.memref_slice %arg8[%dma_wait3A_52, %dma_wait3A_53] : memref<128x128xf32, #tpu.memory_space<vmem>> -> memref<128x128xf32, #tpu.memory_space<vmem>>
      tpu.wait_dma2 semaphore(%run_scoped3A : memref<!tpu.dma_semaphore, #tpu.memory_space<semaphore_mem>>) src(%dma_wait3A_54 : memref<128x128xf32, #tpu.memory_space<vmem>>) dst(%dma_wait3A_51 : memref<128x128xf32, #tpu.memory_space<vmem_shared>>)
      tpu.yield
    }) : () -> ()
    %mul3A_14 = arith.constant 632 : i32
    %mul3A_15 = arith.muli %arg1, %mul3A_14 : i32
    %add3A_16 = arith.constant 256 : i32
    %add3A_17 = arith.addi %mul3A_15, %add3A_16 : i32
    "tpu.region"() ({
      %run_scoped3A = tpu.sem_alloc : memref<!tpu.dma_semaphore, #tpu.memory_space<semaphore_mem>>
      %dma_start3A = arith.constant 0 : i32
      %dma_start3A_37 = arith.constant 0 : i32
      %dma_start3A_38 = tpu.memref_slice %arg8[%dma_start3A, %dma_start3A_37] : memref<128x128xf32, #tpu.memory_space<vmem>> -> memref<128x128xf32, #tpu.memory_space<vmem>>
      %dma_start3A_39 = arith.constant 0 : i32
      %dma_start3A_40 = tpu.memref_slice %arg9[%add3A_17, %dma_start3A_39] : memref<10112x128xf32, #tpu.memory_space<vmem_shared>> -> memref<128x128xf32, #tpu.memory_space<vmem_shared>>
      %dma_start3A_41 = arith.constant 0 : i32
      %dma_start3A_42 = tpu.memref_slice %arg9[%add3A_17, %dma_start3A_41] : memref<10112x128xf32, #tpu.memory_space<vmem_shared>> -> memref<128x128xf32, #tpu.memory_space<vmem_shared>>
      %dma_start3A_43 = arith.constant 0 : i32
      %dma_start3A_44 = arith.constant 0 : i32
      %dma_start3A_45 = tpu.memref_slice %arg8[%dma_start3A_43, %dma_start3A_44] : memref<128x128xf32, #tpu.memory_space<vmem>> -> memref<128x128xf32, #tpu.memory_space<vmem>>
      tpu.enqueue_dma source(%dma_start3A_45 : memref<128x128xf32, #tpu.memory_space<vmem>>) target(%dma_start3A_42 : memref<128x128xf32, #tpu.memory_space<vmem_shared>>) target_semaphore(%run_scoped3A : memref<!tpu.dma_semaphore, #tpu.memory_space<semaphore_mem>>)
      %dma_wait3A = arith.constant 0 : i32
      %dma_wait3A_46 = arith.constant 0 : i32
      %dma_wait3A_47 = tpu.memref_slice %arg8[%dma_wait3A, %dma_wait3A_46] : memref<128x128xf32, #tpu.memory_space<vmem>> -> memref<128x128xf32, #tpu.memory_space<vmem>>
      %dma_wait3A_48 = arith.constant 0 : i32
      %dma_wait3A_49 = tpu.memref_slice %arg9[%add3A_17, %dma_wait3A_48] : memref<10112x128xf32, #tpu.memory_space<vmem_shared>> -> memref<128x128xf32, #tpu.memory_space<vmem_shared>>
      %dma_wait3A_50 = arith.constant 0 : i32
      %dma_wait3A_51 = tpu.memref_slice %arg9[%add3A_17, %dma_wait3A_50] : memref<10112x128xf32, #tpu.memory_space<vmem_shared>> -> memref<128x128xf32, #tpu.memory_space<vmem_shared>>
      %dma_wait3A_52 = arith.constant 0 : i32
      %dma_wait3A_53 = arith.constant 0 : i32
      %dma_wait3A_54 = tpu.memref_slice %arg8[%dma_wait3A_52, %dma_wait3A_53] : memref<128x128xf32, #tpu.memory_space<vmem>> -> memref<128x128xf32, #tpu.memory_space<vmem>>
      tpu.wait_dma2 semaphore(%run_scoped3A : memref<!tpu.dma_semaphore, #tpu.memory_space<semaphore_mem>>) src(%dma_wait3A_54 : memref<128x128xf32, #tpu.memory_space<vmem>>) dst(%dma_wait3A_51 : memref<128x128xf32, #tpu.memory_space<vmem_shared>>)
      tpu.yield
    }) : () -> ()
    %mul3A_18 = arith.constant 632 : i32
    %mul3A_19 = arith.muli %arg1, %mul3A_18 : i32
    %add3A_20 = arith.constant 384 : i32
    %add3A_21 = arith.addi %mul3A_19, %add3A_20 : i32
    "tpu.region"() ({
      %run_scoped3A = tpu.sem_alloc : memref<!tpu.dma_semaphore, #tpu.memory_space<semaphore_mem>>
      %dma_start3A = arith.constant 0 : i32
      %dma_start3A_37 = arith.constant 0 : i32
      %dma_start3A_38 = tpu.memref_slice %arg8[%dma_start3A, %dma_start3A_37] : memref<128x128xf32, #tpu.memory_space<vmem>> -> memref<128x128xf32, #tpu.memory_space<vmem>>
      %dma_start3A_39 = arith.constant 0 : i32
      %dma_start3A_40 = tpu.memref_slice %arg9[%add3A_21, %dma_start3A_39] : memref<10112x128xf32, #tpu.memory_space<vmem_shared>> -> memref<128x128xf32, #tpu.memory_space<vmem_shared>>
      %dma_start3A_41 = arith.constant 0 : i32
      %dma_start3A_42 = tpu.memref_slice %arg9[%add3A_21, %dma_start3A_41] : memref<10112x128xf32, #tpu.memory_space<vmem_shared>> -> memref<128x128xf32, #tpu.memory_space<vmem_shared>>
      %dma_start3A_43 = arith.constant 0 : i32
      %dma_start3A_44 = arith.constant 0 : i32
      %dma_start3A_45 = tpu.memref_slice %arg8[%dma_start3A_43, %dma_start3A_44] : memref<128x128xf32, #tpu.memory_space<vmem>> -> memref<128x128xf32, #tpu.memory_space<vmem>>
      tpu.enqueue_dma source(%dma_start3A_45 : memref<128x128xf32, #tpu.memory_space<vmem>>) target(%dma_start3A_42 : memref<128x128xf32, #tpu.memory_space<vmem_shared>>) target_semaphore(%run_scoped3A : memref<!tpu.dma_semaphore, #tpu.memory_space<semaphore_mem>>)
      %dma_wait3A = arith.constant 0 : i32
      %dma_wait3A_46 = arith.constant 0 : i32
      %dma_wait3A_47 = tpu.memref_slice %arg8[%dma_wait3A, %dma_wait3A_46] : memref<128x128xf32, #tpu.memory_space<vmem>> -> memref<128x128xf32, #tpu.memory_space<vmem>>
      %dma_wait3A_48 = arith.constant 0 : i32
      %dma_wait3A_49 = tpu.memref_slice %arg9[%add3A_21, %dma_wait3A_48] : memref<10112x128xf32, #tpu.memory_space<vmem_shared>> -> memref<128x128xf32, #tpu.memory_space<vmem_shared>>
      %dma_wait3A_50 = arith.constant 0 : i32
      %dma_wait3A_51 = tpu.memref_slice %arg9[%add3A_21, %dma_wait3A_50] : memref<10112x128xf32, #tpu.memory_space<vmem_shared>> -> memref<128x128xf32, #tpu.memory_space<vmem_shared>>
      %dma_wait3A_52 = arith.constant 0 : i32
      %dma_wait3A_53 = arith.constant 0 : i32
      %dma_wait3A_54 = tpu.memref_slice %arg8[%dma_wait3A_52, %dma_wait3A_53] : memref<128x128xf32, #tpu.memory_space<vmem>> -> memref<128x128xf32, #tpu.memory_space<vmem>>
      tpu.wait_dma2 semaphore(%run_scoped3A : memref<!tpu.dma_semaphore, #tpu.memory_space<semaphore_mem>>) src(%dma_wait3A_54 : memref<128x128xf32, #tpu.memory_space<vmem>>) dst(%dma_wait3A_51 : memref<128x128xf32, #tpu.memory_space<vmem_shared>>)
      tpu.yield
    }) : () -> ()
    %mul3A_22 = arith.constant 632 : i32
    %mul3A_23 = arith.muli %arg1, %mul3A_22 : i32
    %add3A_24 = arith.constant 512 : i32
    %add3A_25 = arith.addi %mul3A_23, %add3A_24 : i32
    "tpu.region"() ({
      %run_scoped3A = tpu.sem_alloc : memref<!tpu.dma_semaphore, #tpu.memory_space<semaphore_mem>>
      %dma_start3A = arith.constant 0 : i32
      %dma_start3A_37 = arith.constant 0 : i32
      %dma_start3A_38 = tpu.memref_slice %arg8[%dma_start3A, %dma_start3A_37] : memref<128x128xf32, #tpu.memory_space<vmem>> -> memref<120x128xf32, #tpu.memory_space<vmem>>
      %dma_start3A_39 = arith.constant 0 : i32
      %dma_start3A_40 = tpu.memref_slice %arg9[%add3A_25, %dma_start3A_39] : memref<10112x128xf32, #tpu.memory_space<vmem_shared>> -> memref<120x128xf32, #tpu.memory_space<vmem_shared>>
      %dma_start3A_41 = arith.constant 0 : i32
      %dma_start3A_42 = tpu.memref_slice %arg9[%add3A_25, %dma_start3A_41] : memref<10112x128xf32, #tpu.memory_space<vmem_shared>> -> memref<120x128xf32, #tpu.memory_space<vmem_shared>>
      %dma_start3A_43 = arith.constant 0 : i32
      %dma_start3A_44 = arith.constant 0 : i32
      %dma_start3A_45 = tpu.memref_slice %arg8[%dma_start3A_43, %dma_start3A_44] : memref<128x128xf32, #tpu.memory_space<vmem>> -> memref<120x128xf32, #tpu.memory_space<vmem>>
      tpu.enqueue_dma source(%dma_start3A_45 : memref<120x128xf32, #tpu.memory_space<vmem>>) target(%dma_start3A_42 : memref<120x128xf32, #tpu.memory_space<vmem_shared>>) target_semaphore(%run_scoped3A : memref<!tpu.dma_semaphore, #tpu.memory_space<semaphore_mem>>)
      %dma_wait3A = arith.constant 0 : i32
      %dma_wait3A_46 = arith.constant 0 : i32
      %dma_wait3A_47 = tpu.memref_slice %arg8[%dma_wait3A, %dma_wait3A_46] : memref<128x128xf32, #tpu.memory_space<vmem>> -> memref<120x128xf32, #tpu.memory_space<vmem>>
      %dma_wait3A_48 = arith.constant 0 : i32
      %dma_wait3A_49 = tpu.memref_slice %arg9[%add3A_25, %dma_wait3A_48] : memref<10112x128xf32, #tpu.memory_space<vmem_shared>> -> memref<120x128xf32, #tpu.memory_space<vmem_shared>>
      %dma_wait3A_50 = arith.constant 0 : i32
      %dma_wait3A_51 = tpu.memref_slice %arg9[%add3A_25, %dma_wait3A_50] : memref<10112x128xf32, #tpu.memory_space<vmem_shared>> -> memref<120x128xf32, #tpu.memory_space<vmem_shared>>
      %dma_wait3A_52 = arith.constant 0 : i32
      %dma_wait3A_53 = arith.constant 0 : i32
      %dma_wait3A_54 = tpu.memref_slice %arg8[%dma_wait3A_52, %dma_wait3A_53] : memref<128x128xf32, #tpu.memory_space<vmem>> -> memref<120x128xf32, #tpu.memory_space<vmem>>
      tpu.wait_dma2 semaphore(%run_scoped3A : memref<!tpu.dma_semaphore, #tpu.memory_space<semaphore_mem>>) src(%dma_wait3A_54 : memref<120x128xf32, #tpu.memory_space<vmem>>) dst(%dma_wait3A_51 : memref<120x128xf32, #tpu.memory_space<vmem_shared>>)
      tpu.yield
    }) : () -> ()
    "tpu.region"() ({
      %run_scoped3A = tpu.sem_alloc : memref<!tpu.dma_semaphore, #tpu.memory_space<semaphore_mem>>
      %dma_start3A = arith.constant 0 : i32
      %dma_start3A_37 = arith.constant 0 : i32
      %dma_start3A_38 = tpu.memref_slice %arg3[%add3A, %dma_start3A, %dma_start3A_37] : memref<32x79x128xi32, #tpu.memory_space<hbm>> -> memref<1x79x128xi32, #tpu.memory_space<hbm>>
      %dma_start3A_39 = tpu.memref_squeeze %dma_start3A_38 : memref<1x79x128xi32, #tpu.memory_space<hbm>> -> memref<79x128xi32, #tpu.memory_space<hbm>>
      %dma_start3A_40 = arith.constant 0 : i32
      %dma_start3A_41 = arith.constant 0 : i32
      %dma_start3A_42 = tpu.memref_slice %arg3[%add3A, %dma_start3A_40, %dma_start3A_41] : memref<32x79x128xi32, #tpu.memory_space<hbm>> -> memref<1x79x128xi32, #tpu.memory_space<hbm>>
      %dma_start3A_43 = tpu.memref_squeeze %dma_start3A_42 : memref<1x79x128xi32, #tpu.memory_space<hbm>> -> memref<79x128xi32, #tpu.memory_space<hbm>>
      tpu.enqueue_dma source(%dma_start3A_43 : memref<79x128xi32, #tpu.memory_space<hbm>>) target(%arg6 : memref<79x128xi32, #tpu.memory_space<vmem>>) target_semaphore(%run_scoped3A : memref<!tpu.dma_semaphore, #tpu.memory_space<semaphore_mem>>)
      %dma_wait3A = arith.constant 0 : i32
      %dma_wait3A_44 = arith.constant 0 : i32
      %dma_wait3A_45 = tpu.memref_slice %arg3[%add3A, %dma_wait3A, %dma_wait3A_44] : memref<32x79x128xi32, #tpu.memory_space<hbm>> -> memref<1x79x128xi32, #tpu.memory_space<hbm>>
      %dma_wait3A_46 = tpu.memref_squeeze %dma_wait3A_45 : memref<1x79x128xi32, #tpu.memory_space<hbm>> -> memref<79x128xi32, #tpu.memory_space<hbm>>
      %dma_wait3A_47 = arith.constant 0 : i32
      %dma_wait3A_48 = arith.constant 0 : i32
      %dma_wait3A_49 = tpu.memref_slice %arg3[%add3A, %dma_wait3A_47, %dma_wait3A_48] : memref<32x79x128xi32, #tpu.memory_space<hbm>> -> memref<1x79x128xi32, #tpu.memory_space<hbm>>
      %dma_wait3A_50 = tpu.memref_squeeze %dma_wait3A_49 : memref<1x79x128xi32, #tpu.memory_space<hbm>> -> memref<79x128xi32, #tpu.memory_space<hbm>>
      tpu.wait_dma2 semaphore(%run_scoped3A : memref<!tpu.dma_semaphore, #tpu.memory_space<semaphore_mem>>) src(%dma_wait3A_50 : memref<79x128xi32, #tpu.memory_space<hbm>>) dst(%arg6 : memref<79x128xi32, #tpu.memory_space<vmem>>)
      tpu.yield
    }) : () -> ()
    "tpu.region"() ({
      %run_scoped3A = tpu.sem_alloc : memref<!tpu.dma_semaphore, #tpu.memory_space<semaphore_mem>>
      %dma_start3A = arith.constant 0 : i32
      %dma_start3A_37 = arith.constant 0 : i32
      %dma_start3A_38 = tpu.memref_slice %arg4[%add3A, %dma_start3A, %dma_start3A_37] : memref<32x79x128xi32, #tpu.memory_space<hbm>> -> memref<1x79x128xi32, #tpu.memory_space<hbm>>
      %dma_start3A_39 = tpu.memref_squeeze %dma_start3A_38 : memref<1x79x128xi32, #tpu.memory_space<hbm>> -> memref<79x128xi32, #tpu.memory_space<hbm>>
      %dma_start3A_40 = arith.constant 0 : i32
      %dma_start3A_41 = arith.constant 0 : i32
      %dma_start3A_42 = tpu.memref_slice %arg4[%add3A, %dma_start3A_40, %dma_start3A_41] : memref<32x79x128xi32, #tpu.memory_space<hbm>> -> memref<1x79x128xi32, #tpu.memory_space<hbm>>
      %dma_start3A_43 = tpu.memref_squeeze %dma_start3A_42 : memref<1x79x128xi32, #tpu.memory_space<hbm>> -> memref<79x128xi32, #tpu.memory_space<hbm>>
      tpu.enqueue_dma source(%dma_start3A_43 : memref<79x128xi32, #tpu.memory_space<hbm>>) target(%arg7 : memref<79x128xi32, #tpu.memory_space<vmem>>) target_semaphore(%run_scoped3A : memref<!tpu.dma_semaphore, #tpu.memory_space<semaphore_mem>>)
      %dma_wait3A = arith.constant 0 : i32
      %dma_wait3A_44 = arith.constant 0 : i32
      %dma_wait3A_45 = tpu.memref_slice %arg4[%add3A, %dma_wait3A, %dma_wait3A_44] : memref<32x79x128xi32, #tpu.memory_space<hbm>> -> memref<1x79x128xi32, #tpu.memory_space<hbm>>
      %dma_wait3A_46 = tpu.memref_squeeze %dma_wait3A_45 : memref<1x79x128xi32, #tpu.memory_space<hbm>> -> memref<79x128xi32, #tpu.memory_space<hbm>>
      %dma_wait3A_47 = arith.constant 0 : i32
      %dma_wait3A_48 = arith.constant 0 : i32
      %dma_wait3A_49 = tpu.memref_slice %arg4[%add3A, %dma_wait3A_47, %dma_wait3A_48] : memref<32x79x128xi32, #tpu.memory_space<hbm>> -> memref<1x79x128xi32, #tpu.memory_space<hbm>>
      %dma_wait3A_50 = tpu.memref_squeeze %dma_wait3A_49 : memref<1x79x128xi32, #tpu.memory_space<hbm>> -> memref<79x128xi32, #tpu.memory_space<hbm>>
      tpu.wait_dma2 semaphore(%run_scoped3A : memref<!tpu.dma_semaphore, #tpu.memory_space<semaphore_mem>>) src(%dma_wait3A_50 : memref<79x128xi32, #tpu.memory_space<hbm>>) dst(%arg7 : memref<79x128xi32, #tpu.memory_space<vmem>>)
      tpu.yield
    }) : () -> ()
    %barrier3A = arith.constant 0 : index
    tpu.barrier barrier_id(%barrier3A)
    %scan3A_26 = arith.constant 0 : i32
    %scan3A_27 = arith.constant 0 : i32
    %scan3A_28 = arith.constant 79 : i32
    %scan3A_29 = arith.addi %scan3A_27, %scan3A_28 : i32
    %scan3A_30 = arith.constant 1 : i32
    scf.for %scan3A_37 = %scan3A_27 to %scan3A_29 step %scan3A_30  : i32 {
      %dma_start3A = arith.constant 0 : i32
      %dma_start3A_38 = tpu.memref_slice %arg6[%scan3A_37, %dma_start3A] : memref<79x128xi32, #tpu.memory_space<vmem>> -> memref<1x128xi32, #tpu.memory_space<vmem>>
      %dma_start3A_39 = tpu.memref_squeeze %dma_start3A_38 : memref<1x128xi32, #tpu.memory_space<vmem>> -> memref<128xi32, #tpu.memory_space<vmem>>
      %dma_start3A_40 = arith.constant 0 : i32
      %dma_start3A_41 = arith.constant 0 : i32
      %dma_start3A_42 = tpu.memref_slice %arg2[%dma_start3A_40, %dma_start3A_41] : memref<10000x128xf32, #tpu.memory_space<hbm>> -> memref<10000x128xf32, #tpu.memory_space<hbm>>
      tpu.enqueue_indirect_dma source(%dma_start3A_42 : memref<10000x128xf32, #tpu.memory_space<hbm>>) target(%arg8 : memref<128x128xf32, #tpu.memory_space<vmem>>) offsets(%dma_start3A_39 : memref<128xi32, #tpu.memory_space<vmem>>) semaphore(%arg10 : memref<!tpu.dma_semaphore, #tpu.memory_space<semaphore_mem>>)
      %dma_wait3A = arith.constant 0 : i32
      %dma_wait3A_43 = tpu.memref_slice %arg6[%scan3A_37, %dma_wait3A] : memref<79x128xi32, #tpu.memory_space<vmem>> -> memref<1x128xi32, #tpu.memory_space<vmem>>
      %dma_wait3A_44 = tpu.memref_squeeze %dma_wait3A_43 : memref<1x128xi32, #tpu.memory_space<vmem>> -> memref<128xi32, #tpu.memory_space<vmem>>
      %dma_wait3A_45 = arith.constant 0 : i32
      %dma_wait3A_46 = arith.constant 0 : i32
      %dma_wait3A_47 = tpu.memref_slice %arg2[%dma_wait3A_45, %dma_wait3A_46] : memref<10000x128xf32, #tpu.memory_space<hbm>> -> memref<10000x128xf32, #tpu.memory_space<hbm>>
      tpu.wait_indirect_dma semaphore(%arg10 : memref<!tpu.dma_semaphore, #tpu.memory_space<semaphore_mem>>) src(%dma_wait3A_47 : memref<10000x128xf32, #tpu.memory_space<hbm>>) dst(%arg8 : memref<128x128xf32, #tpu.memory_space<vmem>>)
      "tpu.region"() ({
        %run_scoped3A = tpu.sem_alloc : memref<!tpu.dma_semaphore, #tpu.memory_space<semaphore_mem>>
        %dma_start3A_48 = arith.constant 0 : i32
        %dma_start3A_49 = tpu.memref_slice %arg7[%scan3A_37, %dma_start3A_48] : memref<79x128xi32, #tpu.memory_space<vmem>> -> memref<1x128xi32, #tpu.memory_space<vmem>>
        %dma_start3A_50 = tpu.memref_squeeze %dma_start3A_49 : memref<1x128xi32, #tpu.memory_space<vmem>> -> memref<128xi32, #tpu.memory_space<vmem>>
        %dma_start3A_51 = arith.constant 0 : i32
        %dma_start3A_52 = arith.constant 0 : i32
        %dma_start3A_53 = tpu.memref_slice %arg9[%dma_start3A_51, %dma_start3A_52] : memref<10112x128xf32, #tpu.memory_space<vmem_shared>> -> memref<10112x128xf32, #tpu.memory_space<vmem_shared>>
        tpu.enqueue_indirect_dma source(%arg8 : memref<128x128xf32, #tpu.memory_space<vmem>>) target(%dma_start3A_53 : memref<10112x128xf32, #tpu.memory_space<vmem_shared>>) offsets(%dma_start3A_50 : memref<128xi32, #tpu.memory_space<vmem>>) semaphore(%run_scoped3A : memref<!tpu.dma_semaphore, #tpu.memory_space<semaphore_mem>>) {add = true}
        %dma_wait3A_54 = arith.constant 0 : i32
        %dma_wait3A_55 = tpu.memref_slice %arg7[%scan3A_37, %dma_wait3A_54] : memref<79x128xi32, #tpu.memory_space<vmem>> -> memref<1x128xi32, #tpu.memory_space<vmem>>
        %dma_wait3A_56 = tpu.memref_squeeze %dma_wait3A_55 : memref<1x128xi32, #tpu.memory_space<vmem>> -> memref<128xi32, #tpu.memory_space<vmem>>
        %dma_wait3A_57 = arith.constant 0 : i32
        %dma_wait3A_58 = arith.constant 0 : i32
        %dma_wait3A_59 = tpu.memref_slice %arg9[%dma_wait3A_57, %dma_wait3A_58] : memref<10112x128xf32, #tpu.memory_space<vmem_shared>> -> memref<10112x128xf32, #tpu.memory_space<vmem_shared>>
        tpu.wait_indirect_dma semaphore(%run_scoped3A : memref<!tpu.dma_semaphore, #tpu.memory_space<semaphore_mem>>) src(%arg8 : memref<128x128xf32, #tpu.memory_space<vmem>>) dst(%dma_wait3A_59 : memref<10112x128xf32, #tpu.memory_space<vmem_shared>>)
        tpu.yield
      }) : () -> ()
    }
    %scan3A_31 = arith.constant 79 : i32
    %barrier3A_32 = arith.constant 0 : index
    tpu.barrier barrier_id(%barrier3A_32)
    %mul3A_33 = arith.constant 632 : i32
    %mul3A_34 = arith.muli %arg1, %mul3A_33 : i32
    %mul3A_35 = arith.constant 632 : i32
    %mul3A_36 = arith.muli %arg1, %mul3A_35 : i32
    "tpu.region"() ({
      %run_scoped3A = tpu.sem_alloc : memref<!tpu.dma_semaphore, #tpu.memory_space<semaphore_mem>>
      %dma_start3A = arith.constant 0 : i32
      %dma_start3A_37 = arith.constant 0 : i32
      %dma_start3A_38 = tpu.memref_slice %arg5[%arg0, %dma_start3A, %dma_start3A_37] : memref<2x10112x128xf32, #tpu.memory_space<hbm>> -> memref<1x10112x128xf32, #tpu.memory_space<hbm>>
      %dma_start3A_39 = tpu.memref_squeeze %dma_start3A_38 : memref<1x10112x128xf32, #tpu.memory_space<hbm>> -> memref<10112x128xf32, #tpu.memory_space<hbm>>
      %dma_start3A_40 = arith.constant 0 : i32
      %dma_start3A_41 = tpu.memref_slice %dma_start3A_39[%mul3A_36, %dma_start3A_40] : memref<10112x128xf32, #tpu.memory_space<hbm>> -> memref<632x128xf32, #tpu.memory_space<hbm>>
      %dma_start3A_42 = arith.constant 0 : i32
      %dma_start3A_43 = tpu.memref_slice %arg9[%mul3A_34, %dma_start3A_42] : memref<10112x128xf32, #tpu.memory_space<vmem_shared>> -> memref<632x128xf32, #tpu.memory_space<vmem_shared>>
      tpu.enqueue_dma source(%dma_start3A_43 : memref<632x128xf32, #tpu.memory_space<vmem_shared>>) target(%dma_start3A_41 : memref<632x128xf32, #tpu.memory_space<hbm>>) target_semaphore(%run_scoped3A : memref<!tpu.dma_semaphore, #tpu.memory_space<semaphore_mem>>)
      %dma_wait3A = arith.constant 0 : i32
      %dma_wait3A_44 = arith.constant 0 : i32
      %dma_wait3A_45 = tpu.memref_slice %arg5[%arg0, %dma_wait3A, %dma_wait3A_44] : memref<2x10112x128xf32, #tpu.memory_space<hbm>> -> memref<1x10112x128xf32, #tpu.memory_space<hbm>>
      %dma_wait3A_46 = tpu.memref_squeeze %dma_wait3A_45 : memref<1x10112x128xf32, #tpu.memory_space<hbm>> -> memref<10112x128xf32, #tpu.memory_space<hbm>>
      %dma_wait3A_47 = arith.constant 0 : i32
      %dma_wait3A_48 = tpu.memref_slice %dma_wait3A_46[%mul3A_36, %dma_wait3A_47] : memref<10112x128xf32, #tpu.memory_space<hbm>> -> memref<632x128xf32, #tpu.memory_space<hbm>>
      %dma_wait3A_49 = arith.constant 0 : i32
      %dma_wait3A_50 = tpu.memref_slice %arg9[%mul3A_34, %dma_wait3A_49] : memref<10112x128xf32, #tpu.memory_space<vmem_shared>> -> memref<632x128xf32, #tpu.memory_space<vmem_shared>>
      tpu.wait_dma2 semaphore(%run_scoped3A : memref<!tpu.dma_semaphore, #tpu.memory_space<semaphore_mem>>) src(%dma_wait3A_50 : memref<632x128xf32, #tpu.memory_space<vmem_shared>>) dst(%dma_wait3A_48 : memref<632x128xf32, #tpu.memory_space<hbm>>)
      tpu.yield
    }) : () -> ()
    return
  }
}

module attributes {stable_mosaic.version = 14 : i64} {
  func.func @body(%arg0: i32, %arg1: memref<1000x2xf32, #tpu.memory_space<vmem>>, %arg2: memref<1000x128xf32, #tpu.memory_space<vmem>>, %arg3: memref<128x128xf32, #tpu.memory_space<vmem>>, %arg4: memref<128x64xf32, #tpu.memory_space<vmem>>, %arg5: memref<1000x128xf32, #tpu.memory_space<vmem>>, %arg6: memref<1000x64xf32, #tpu.memory_space<vmem>>, %arg7: memref<1000x1xf32, #tpu.memory_space<vmem>>) attributes {dimension_semantics = [#tpu.dimension_semantics<arbitrary>], iteration_bounds = array<i64: 10>, scalar_prefetch = 0 : i64, scratch_operands = 0 : i64, tpu.core_type = #tpu.core_type<tc>, window_params = [{transform_indices = @transform_0, window_bounds = array<i64: 1000, 2>}, {transform_indices = @transform_1, window_bounds = array<i64: 1000, 128>}, {pipeline_mode = #tpu.pipeline_mode<synchronous>, transform_indices = @transform_2, window_bounds = array<i64: 128, 128>}, {pipeline_mode = #tpu.pipeline_mode<synchronous>, transform_indices = @transform_3, window_bounds = array<i64: 128, 64>}, {transform_indices = @transform_4, window_bounds = array<i64: 1000, 128>}, {transform_indices = @transform_5, window_bounds = array<i64: 1000, 64>}, {transform_indices = @transform_6, window_bounds = array<i64: 1000, 1>}]} {
    %get3A = arith.constant 0 : index
    %get3A_0 = arith.constant 0 : index
    %get3A_1 = vector.load %arg1[%get3A, %get3A_0] : memref<1000x2xf32, #tpu.memory_space<vmem>>, vector<1000x2xf32>
    %slice3A = vector.extract_strided_slice %get3A_1 {offsets = [0, 0], sizes = [1000, 1], strides = [1, 1]} : vector<1000x2xf32> to vector<1000x1xf32>
    %slice3A_2 = vector.extract_strided_slice %get3A_1 {offsets = [0, 1], sizes = [1000, 1], strides = [1, 1]} : vector<1000x2xf32> to vector<1000x1xf32>
    %add3A = arith.addf %slice3A, %slice3A_2 : vector<1000x1xf32>
    %add3A_3 = arith.constant 1.000000e+00 : f32
    %add3A_4 = vector.broadcast %add3A_3 : f32 to vector<1000x1xf32>
    %add3A_5 = arith.addf %add3A, %add3A_4 : vector<1000x1xf32>
    %rsqrt3A = math.rsqrt %add3A_5 : vector<1000x1xf32>
    %get3A_6 = arith.constant 0 : index
    %get3A_7 = arith.constant 0 : index
    %get3A_8 = vector.load %arg2[%get3A_6, %get3A_7] : memref<1000x128xf32, #tpu.memory_space<vmem>>, vector<1000x128xf32>
    %get3A_9 = arith.constant 0 : index
    %get3A_10 = arith.constant 0 : index
    %get3A_11 = vector.load %arg3[%get3A_9, %get3A_10] : memref<128x128xf32, #tpu.memory_space<vmem>>, vector<128x128xf32>
    %dot_general3A = arith.constant dense<0.000000e+00> : vector<1000x128xf32>
    %dot_general3A_12 = tpu.matmul %get3A_8, %get3A_11, %dot_general3A {dimension_numbers = #tpu.dot_dimension_numbers<[1], [0], [0], [1], [0, 0, 1, 1], [], []>, transpose_lhs_hint = false} : vector<1000x128xf32>, vector<128x128xf32>, vector<1000x128xf32> -> vector<1000x128xf32>
    %mul3A = vector.broadcast %rsqrt3A : vector<1000x1xf32> to vector<1000x128xf32>
    %mul3A_13 = arith.mulf %mul3A, %dot_general3A_12 : vector<1000x128xf32>
    %swap3A = arith.constant 0 : index
    %swap3A_14 = arith.constant 0 : index
    %swap3A_15 = vector.load %arg5[%swap3A, %swap3A_14] : memref<1000x128xf32, #tpu.memory_space<vmem>>, vector<1000x128xf32>
    tpu.vector_store %arg5[%swap3A, %swap3A_14], %mul3A_13 {strides = array<i32>} : memref<1000x128xf32, #tpu.memory_space<vmem>>, vector<1000x128xf32>,
    %get3A_16 = arith.constant 0 : index
    %get3A_17 = arith.constant 0 : index
    %get3A_18 = vector.load %arg4[%get3A_16, %get3A_17] : memref<128x64xf32, #tpu.memory_space<vmem>>, vector<128x64xf32>
    %dot_general3A_19 = arith.constant dense<0.000000e+00> : vector<1000x64xf32>
    %dot_general3A_20 = tpu.matmul %get3A_8, %get3A_18, %dot_general3A_19 {dimension_numbers = #tpu.dot_dimension_numbers<[1], [0], [0], [1], [0, 0, 1, 1], [], []>, transpose_lhs_hint = false} : vector<1000x128xf32>, vector<128x64xf32>, vector<1000x64xf32> -> vector<1000x64xf32>
    %swap3A_21 = arith.constant 0 : index
    %swap3A_22 = arith.constant 0 : index
    %swap3A_23 = vector.load %arg6[%swap3A_21, %swap3A_22] : memref<1000x64xf32, #tpu.memory_space<vmem>>, vector<1000x64xf32>
    tpu.vector_store %arg6[%swap3A_21, %swap3A_22], %dot_general3A_20 {strides = array<i32>} : memref<1000x64xf32, #tpu.memory_space<vmem>>, vector<1000x64xf32>,
    %swap3A_24 = arith.constant 0 : index
    %swap3A_25 = arith.constant 0 : index
    %swap3A_26 = vector.load %arg7[%swap3A_24, %swap3A_25] : memref<1000x1xf32, #tpu.memory_space<vmem>>, vector<1000x1xf32>
    tpu.vector_store %arg7[%swap3A_24, %swap3A_25], %rsqrt3A {strides = array<i32>} : memref<1000x1xf32, #tpu.memory_space<vmem>>, vector<1000x1xf32>,
    return
  }
  func.func @transform_0(%arg0: i32) -> (i32, i32) {
    %c0_i32 = arith.constant 0 : i32
    %c0_i32_0 = arith.constant 0 : i32
    return %arg0, %c0_i32 : i32, i32
  }
  func.func @transform_1(%arg0: i32) -> (i32, i32) {
    %c0_i32 = arith.constant 0 : i32
    %c0_i32_0 = arith.constant 0 : i32
    return %arg0, %c0_i32 : i32, i32
  }
  func.func @transform_2(%arg0: i32) -> (i32, i32) {
    %c0_i32 = arith.constant 0 : i32
    %c0_i32_0 = arith.constant 0 : i32
    %c0_i32_1 = arith.constant 0 : i32
    return %c0_i32, %c0_i32_0 : i32, i32
  }
  func.func @transform_3(%arg0: i32) -> (i32, i32) {
    %c0_i32 = arith.constant 0 : i32
    %c0_i32_0 = arith.constant 0 : i32
    %c0_i32_1 = arith.constant 0 : i32
    return %c0_i32, %c0_i32_0 : i32, i32
  }
  func.func @transform_4(%arg0: i32) -> (i32, i32) {
    %c0_i32 = arith.constant 0 : i32
    %c0_i32_0 = arith.constant 0 : i32
    return %arg0, %c0_i32 : i32, i32
  }
  func.func @transform_5(%arg0: i32) -> (i32, i32) {
    %c0_i32 = arith.constant 0 : i32
    %c0_i32_0 = arith.constant 0 : i32
    return %arg0, %c0_i32 : i32, i32
  }
  func.func @transform_6(%arg0: i32) -> (i32, i32) {
    %c0_i32 = arith.constant 0 : i32
    %c0_i32_0 = arith.constant 0 : i32
    return %arg0, %c0_i32 : i32, i32
  }
}

module attributes {stable_mosaic.version = 14 : i64} {
  func.func @body(%arg0: i32, %arg1: memref<1000x128xf32, #tpu.memory_space<vmem>>, %arg2: memref<1000x128xf32, #tpu.memory_space<vmem>>, %arg3: memref<1000x128xf32, #tpu.memory_space<vmem>>, %arg4: memref<1000x1xf32, #tpu.memory_space<vmem>>, %arg5: memref<1000x128xf32, #tpu.memory_space<vmem>>) attributes {dimension_semantics = [#tpu.dimension_semantics<arbitrary>], iteration_bounds = array<i64: 10>, scalar_prefetch = 0 : i64, scratch_operands = 0 : i64, tpu.core_type = #tpu.core_type<tc>, window_params = [{transform_indices = @transform_0, window_bounds = array<i64: 1000, 128>}, {transform_indices = @transform_1, window_bounds = array<i64: 1000, 128>}, {transform_indices = @transform_2, window_bounds = array<i64: 1000, 128>}, {transform_indices = @transform_3, window_bounds = array<i64: 1000, 1>}, {transform_indices = @transform_4, window_bounds = array<i64: 1000, 128>}]} {
    %get3A = arith.constant 0 : index
    %get3A_0 = arith.constant 0 : index
    %get3A_1 = vector.load %arg4[%get3A, %get3A_0] : memref<1000x1xf32, #tpu.memory_space<vmem>>, vector<1000x1xf32>
    %get3A_2 = arith.constant 0 : index
    %get3A_3 = arith.constant 0 : index
    %get3A_4 = vector.load %arg1[%get3A_2, %get3A_3] : memref<1000x128xf32, #tpu.memory_space<vmem>>, vector<1000x128xf32>
    %get3A_5 = arith.constant 0 : index
    %get3A_6 = arith.constant 0 : index
    %get3A_7 = vector.load %arg2[%get3A_5, %get3A_6] : memref<1000x128xf32, #tpu.memory_space<vmem>>, vector<1000x128xf32>
    %add3A = arith.addf %get3A_4, %get3A_7 : vector<1000x128xf32>
    %get3A_8 = arith.constant 0 : index
    %get3A_9 = arith.constant 0 : index
    %get3A_10 = vector.load %arg3[%get3A_8, %get3A_9] : memref<1000x128xf32, #tpu.memory_space<vmem>>, vector<1000x128xf32>
    %add3A_11 = arith.addf %add3A, %get3A_10 : vector<1000x128xf32>
    %mul3A = vector.broadcast %get3A_1 : vector<1000x1xf32> to vector<1000x128xf32>
    %mul3A_12 = arith.mulf %mul3A, %add3A_11 : vector<1000x128xf32>
    %max3A = arith.constant 0.000000e+00 : f32
    %max3A_13 = vector.broadcast %max3A : f32 to vector<1000x128xf32>
    %max3A_14 = arith.maximumf %mul3A_12, %max3A_13 : vector<1000x128xf32>
    %mul3A_15 = vector.broadcast %get3A_1 : vector<1000x1xf32> to vector<1000x128xf32>
    %mul3A_16 = arith.mulf %mul3A_15, %max3A_14 : vector<1000x128xf32>
    %swap3A = arith.constant 0 : index
    %swap3A_17 = arith.constant 0 : index
    %swap3A_18 = vector.load %arg5[%swap3A, %swap3A_17] : memref<1000x128xf32, #tpu.memory_space<vmem>>, vector<1000x128xf32>
    tpu.vector_store %arg5[%swap3A, %swap3A_17], %mul3A_16 {strides = array<i32>} : memref<1000x128xf32, #tpu.memory_space<vmem>>, vector<1000x128xf32>,
    return
  }
  func.func @transform_0(%arg0: i32) -> (i32, i32) {
    %c0_i32 = arith.constant 0 : i32
    %c0_i32_0 = arith.constant 0 : i32
    return %arg0, %c0_i32 : i32, i32
  }
  func.func @transform_1(%arg0: i32) -> (i32, i32) {
    %c0_i32 = arith.constant 0 : i32
    %c0_i32_0 = arith.constant 0 : i32
    return %arg0, %c0_i32 : i32, i32
  }
  func.func @transform_2(%arg0: i32) -> (i32, i32) {
    %c0_i32 = arith.constant 0 : i32
    %c0_i32_0 = arith.constant 0 : i32
    return %arg0, %c0_i32 : i32, i32
  }
  func.func @transform_3(%arg0: i32) -> (i32, i32) {
    %c0_i32 = arith.constant 0 : i32
    %c0_i32_0 = arith.constant 0 : i32
    return %arg0, %c0_i32 : i32, i32
  }
  func.func @transform_4(%arg0: i32) -> (i32, i32) {
    %c0_i32 = arith.constant 0 : i32
    %c0_i32_0 = arith.constant 0 : i32
    return %arg0, %c0_i32 : i32, i32
  }
}

module attributes {stable_mosaic.version = 14 : i64} {
  func.func @body(%arg0: i32, %arg1: memref<1000x128xf32, #tpu.memory_space<vmem>>, %arg2: memref<1000x128xf32, #tpu.memory_space<vmem>>, %arg3: memref<1000x128xf32, #tpu.memory_space<vmem>>, %arg4: memref<1000x1xf32, #tpu.memory_space<vmem>>, %arg5: memref<1000x64xf32, #tpu.memory_space<vmem>>, %arg6: memref<128x64xf32, #tpu.memory_space<vmem>>, %arg7: memref<1000x64xf32, #tpu.memory_space<vmem>>, %arg8: memref<1000x64xf32, #tpu.memory_space<vmem>>) attributes {dimension_semantics = [#tpu.dimension_semantics<arbitrary>], iteration_bounds = array<i64: 10>, scalar_prefetch = 0 : i64, scratch_operands = 0 : i64, tpu.core_type = #tpu.core_type<tc>, window_params = [{transform_indices = @transform_0, window_bounds = array<i64: 1000, 128>}, {transform_indices = @transform_1, window_bounds = array<i64: 1000, 128>}, {transform_indices = @transform_2, window_bounds = array<i64: 1000, 128>}, {transform_indices = @transform_3, window_bounds = array<i64: 1000, 1>}, {transform_indices = @transform_4, window_bounds = array<i64: 1000, 64>}, {pipeline_mode = #tpu.pipeline_mode<synchronous>, transform_indices = @transform_5, window_bounds = array<i64: 128, 64>}, {transform_indices = @transform_6, window_bounds = array<i64: 1000, 64>}, {transform_indices = @transform_7, window_bounds = array<i64: 1000, 64>}]} {
    %get3A = arith.constant 0 : index
    %get3A_0 = arith.constant 0 : index
    %get3A_1 = vector.load %arg4[%get3A, %get3A_0] : memref<1000x1xf32, #tpu.memory_space<vmem>>, vector<1000x1xf32>
    %get3A_2 = arith.constant 0 : index
    %get3A_3 = arith.constant 0 : index
    %get3A_4 = vector.load %arg1[%get3A_2, %get3A_3] : memref<1000x128xf32, #tpu.memory_space<vmem>>, vector<1000x128xf32>
    %get3A_5 = arith.constant 0 : index
    %get3A_6 = arith.constant 0 : index
    %get3A_7 = vector.load %arg2[%get3A_5, %get3A_6] : memref<1000x128xf32, #tpu.memory_space<vmem>>, vector<1000x128xf32>
    %add3A = arith.addf %get3A_4, %get3A_7 : vector<1000x128xf32>
    %get3A_8 = arith.constant 0 : index
    %get3A_9 = arith.constant 0 : index
    %get3A_10 = vector.load %arg3[%get3A_8, %get3A_9] : memref<1000x128xf32, #tpu.memory_space<vmem>>, vector<1000x128xf32>
    %add3A_11 = arith.addf %add3A, %get3A_10 : vector<1000x128xf32>
    %get3A_12 = arith.constant 0 : index
    %get3A_13 = arith.constant 0 : index
    %get3A_14 = vector.load %arg6[%get3A_12, %get3A_13] : memref<128x64xf32, #tpu.memory_space<vmem>>, vector<128x64xf32>
    %dot_general3A = arith.constant dense<0.000000e+00> : vector<1000x64xf32>
    %dot_general3A_15 = tpu.matmul %add3A_11, %get3A_14, %dot_general3A {dimension_numbers = #tpu.dot_dimension_numbers<[1], [0], [0], [1], [0, 0, 1, 1], [], []>, transpose_lhs_hint = false} : vector<1000x128xf32>, vector<128x64xf32>, vector<1000x64xf32> -> vector<1000x64xf32>
    %mul3A = vector.broadcast %get3A_1 : vector<1000x1xf32> to vector<1000x64xf32>
    %mul3A_16 = arith.mulf %mul3A, %dot_general3A_15 : vector<1000x64xf32>
    %swap3A = arith.constant 0 : index
    %swap3A_17 = arith.constant 0 : index
    %swap3A_18 = vector.load %arg7[%swap3A, %swap3A_17] : memref<1000x64xf32, #tpu.memory_space<vmem>>, vector<1000x64xf32>
    tpu.vector_store %arg7[%swap3A, %swap3A_17], %mul3A_16 {strides = array<i32>} : memref<1000x64xf32, #tpu.memory_space<vmem>>, vector<1000x64xf32>,
    %get3A_19 = arith.constant 0 : index
    %get3A_20 = arith.constant 0 : index
    %get3A_21 = vector.load %arg5[%get3A_19, %get3A_20] : memref<1000x64xf32, #tpu.memory_space<vmem>>, vector<1000x64xf32>
    %add3A_22 = arith.addf %mul3A_16, %get3A_21 : vector<1000x64xf32>
    %reduce_max3A = arith.constant dense<0xFF800000> : vector<1000xf32>
    %reduce_max3A_23 = vector.multi_reduction <maximumf>, %add3A_22, %reduce_max3A [1] : vector<1000x64xf32> to vector<1000xf32>
    %broadcast_in_dim3A = vector.shape_cast %reduce_max3A_23 : vector<1000xf32> to vector<1000x1xf32>
    %sub3A = vector.broadcast %broadcast_in_dim3A : vector<1000x1xf32> to vector<1000x64xf32>
    %sub3A_24 = arith.subf %add3A_22, %sub3A : vector<1000x64xf32>
    %exp3A = math.exp %sub3A_24 : vector<1000x64xf32>
    %reduce_sum3A = arith.constant dense<0.000000e+00> : vector<1000xf32>
    %reduce_sum3A_25 = vector.multi_reduction <add>, %exp3A, %reduce_sum3A [1] : vector<1000x64xf32> to vector<1000xf32>
    %broadcast_in_dim3A_26 = vector.shape_cast %reduce_sum3A_25 : vector<1000xf32> to vector<1000x1xf32>
    %div3A = vector.broadcast %broadcast_in_dim3A_26 : vector<1000x1xf32> to vector<1000x64xf32>
    %div3A_27 = arith.divf %exp3A, %div3A : vector<1000x64xf32>
    %swap3A_28 = arith.constant 0 : index
    %swap3A_29 = arith.constant 0 : index
    %swap3A_30 = vector.load %arg8[%swap3A_28, %swap3A_29] : memref<1000x64xf32, #tpu.memory_space<vmem>>, vector<1000x64xf32>
    tpu.vector_store %arg8[%swap3A_28, %swap3A_29], %div3A_27 {strides = array<i32>} : memref<1000x64xf32, #tpu.memory_space<vmem>>, vector<1000x64xf32>,
    return
  }
  func.func @transform_0(%arg0: i32) -> (i32, i32) {
    %c0_i32 = arith.constant 0 : i32
    %c0_i32_0 = arith.constant 0 : i32
    return %arg0, %c0_i32 : i32, i32
  }
  func.func @transform_1(%arg0: i32) -> (i32, i32) {
    %c0_i32 = arith.constant 0 : i32
    %c0_i32_0 = arith.constant 0 : i32
    return %arg0, %c0_i32 : i32, i32
  }
  func.func @transform_2(%arg0: i32) -> (i32, i32) {
    %c0_i32 = arith.constant 0 : i32
    %c0_i32_0 = arith.constant 0 : i32
    return %arg0, %c0_i32 : i32, i32
  }
  func.func @transform_3(%arg0: i32) -> (i32, i32) {
    %c0_i32 = arith.constant 0 : i32
    %c0_i32_0 = arith.constant 0 : i32
    return %arg0, %c0_i32 : i32, i32
  }
  func.func @transform_4(%arg0: i32) -> (i32, i32) {
    %c0_i32 = arith.constant 0 : i32
    %c0_i32_0 = arith.constant 0 : i32
    return %arg0, %c0_i32 : i32, i32
  }
  func.func @transform_5(%arg0: i32) -> (i32, i32) {
    %c0_i32 = arith.constant 0 : i32
    %c0_i32_0 = arith.constant 0 : i32
    %c0_i32_1 = arith.constant 0 : i32
    return %c0_i32, %c0_i32_0 : i32, i32
  }
  func.func @transform_6(%arg0: i32) -> (i32, i32) {
    %c0_i32 = arith.constant 0 : i32
    %c0_i32_0 = arith.constant 0 : i32
    return %arg0, %c0_i32 : i32, i32
  }
  func.func @transform_7(%arg0: i32) -> (i32, i32) {
    %c0_i32 = arith.constant 0 : i32
    %c0_i32_0 = arith.constant 0 : i32
    return %arg0, %c0_i32 : i32, i32
  }
}

</mosaic_0001>

<sc_bundles>
// kernel: kernel.11.cloned.1.call-start
scs
__scs_entry_jumppad:
0x0: {  	(pc) =	sbr.rel $0x88, $3  }
0x1: {  	(tag) =	ssettag $0x0;
	lr =	simm.s32 $0x1  }
0x2: {  	[smem:$0x3F9C] =	sst lr;
	_ =	strace $0xD0000000  }
0x3: {  	_ = 	snop  }
0x4: {  	_ = 	snop  }
0x5: {  	_ = 	snop  }
0x6: {  	_ = 	snop  }
0x7: {  	_ = 	snop  }
__scs_overlays_trampoline_lowered:
0x8: {  	[smem:$0x3FAB] =	sst s0  }
0x9: {  	[smem:$0x3FAC] =	sst s1  }
0xa: {  	[smem:$0x3FAD] =	sst s2  }
0xb: {  	[smem:$0x3FAE] =	sst s3  }
0xc: {  	[smem:$0x3FAF] =	sst s4  }
0xd: {  	[smem:$0x3FB0] =	sst s5  }
0xe: {  	[smem:$0x3FB1] =	sst s6  }
0xf: {  	[smem:$0x3FB2] =	sst s7  }
0x10: {  	[smem:$0x3FB3] =	sst s8  }
0x11: {  	[smem:$0x3FB4] =	sst s9;
	s0 =	simm.s32 @!p0 $0x0  }
0x12: {  	s1 =	sld [smem:$0x3F9A];
	s0 =	simm.s32 @p0 $0x1  }
0x13: {  	[smem:$0x3FB5] =	sst s0;
	s0 =	simm.s32 @!p1 $0x0  }
0x14: {  	s2 =	sld [smem:$0x3F99];
	s0 =	simm.s32 @p1 $0x1  }
0x15: {  	[smem:$0x3FB6] =	sst s0;
	s0 =	simm.s32 @!p2 $0x0  }
0x16: {  	s3 =	sld [smem:$0x3FDB];
	s0 =	simm.s32 @p2 $0x1  }
0x17: {  	s4 =	simm.s32 $0x1BF5;
	[smem:$0x3FB8] =	sst s0  }
0x18: {  	s0 =	sld [smem:$0x3F9B];
	_ =	swait.ge [sflag:s4], $0x0  }
0x19: {  	s7 =	sld [smem:$0x3F9C]  }
0x1a: {  	s8 =	sadd.s32 $0xFFFFE003, lr  }
0x1b: {  	s9 =	sadd.s32 $0xFFFFFEF7, lr;
	s5 =	simm.s32 $0xFFFFFFFF;
	p2 =	slt.u32 s8, $0xFFFFF086  }
0x1c: {  	p1 =	slt.u32 s9, $0xF7A;
	s5 =	simm.s32 @!p2 $0x0  }
0x1d: {  	s5 =	simm.s32 @p1 $0x1;
	p0 =	seq.s32 s7, s2  }
0x1e: {  	s7 =	smul.u32 @!p0 $0xF7A, s2;
	p2 =	seq.s32 @!p0 s5, $0x0  }
0x1f: {  	s9 =	smul.u32 $0xF7A, s1;
	s8 =	simm.s32 @!p0 $0x1BF5;
	p2 =	por !p2, p0  }
0x20: {  	[sflag:s8] =	ssyncset.s32 @!p0 $0xFFFFF086;
	s6 =	sadd.s32 @!p0 s3, s7;
	s7 =	simm.s32 @!p0 $0x108  }
0x21: {  	s3 =	sadd.s32 s3, s9;
	s6 =	sadd.s32 @!p0 $0x88, s6;
	s7 =	simm.s32 @p2 $0x1082  }
0x22: {  	[simem:s7], [sflag:s8] =	dma.local @!p0 [hbm:s6], $0xF7A  }
0x23: {  	s9 =	sor.u32 $0xD0000000, s2;
	s6 =	simm.s32 $0x108;
	_ =	swait.ge @!p0 [sflag:s8], $0x0  }
0x24: {  	s3 =	sadd.s32 $0x88, s3;
	s6 =	simm.s32 @!p1 $0x1082;
	[sflag:s4] =	ssyncset.s32 $0xFFFFF086  }
0x25: {  	[simem:s6], [sflag:s4] =	dma.local [hbm:s3], $0xF7A  }
0x26: {  	[smem:$0x3F9C] =	sst s1;
	(tag) =	ssettag s2;
	_ =	strace s9  }
0x27: {  	s1 =	sld [smem:$0x3FAC]  }
0x28: {  	s2 =	sld [smem:$0x3FAD]  }
0x29: {  	s4 =	sld [smem:$0x3FAF]  }
0x2a: {  	p0 =	seq.s32 s5, $0x0;
	s5 =	sld [smem:$0x3FB0]  }
0x2b: {  	s6 =	sld [smem:$0x3FB1]  }
0x2c: {  	s7 =	sld [smem:$0x3FB2]  }
0x2d: {  	s3 =	simm.s32 $0x108;
	s8 =	sld [smem:$0x3FB3]  }
0x2e: {  	s3 =	simm.s32 @!p0 $0x1082;
	s9 =	sld [smem:$0x3FB4]  }
0x2f: {  	lr =	sadd.s32 s0, s3;
	s0 =	sld [smem:$0x3FAB]  }
0x30: {  	s3 =	sld [smem:$0x3FAE]  }
0x31: {  	[smem:$0x3FB7] =	sst s10  }
0x32: {  	s10 =	sld [smem:$0x3FB5];
	_ =	sdelay $0x3  }
0x33: {  	p0 =	seq.s32 s10, $0x1;
	s10 =	sld [smem:$0x3FB7];
	_ =	sdelay $0x3  }
0x34: {  	[smem:$0x3FB7] =	sst s10  }
0x35: {  	s10 =	sld [smem:$0x3FB6];
	_ =	sdelay $0x3  }
0x36: {  	p1 =	seq.s32 s10, $0x1;
	s10 =	sld [smem:$0x3FB7];
	_ =	sdelay $0x3  }
0x37: {  	[smem:$0x3FB7] =	sst s10  }
0x38: {  	s10 =	sld [smem:$0x3FB8]  }
0x39: {  	_ = 	snop;
	(pc) =	sbr.ind lr, $3  }
0x3a: {  	_ = 	snop  }
0x3b: {  	_ = 	snop  }
0x3c: {  	p2 =	seq.s32 s10, $0x1;
	s10 =	sld [smem:$0x3FB7]  }
0x3d: {  	_ =	shalt  }
0x3e: {  	_ =	shalt  }
0x3f: {  	_ =	shalt  }
0x40: {  	_ =	shalt  }
0x41: {  	_ =	shalt  }
0x42: {  	_ =	shalt  }
0x43: {  	_ =	shalt  }
0x44: {  	_ =	shalt  }
0x45: {  	_ =	shalt  }
0x46: {  	_ =	shalt  }
0x47: {  	_ =	shalt  }
0x48: {  	_ =	shalt  }
0x49: {  	_ =	shalt  }
0x4a: {  	_ =	shalt  }
0x4b: {  	_ =	shalt  }
0x4c: {  	_ =	shalt  }
0x4d: {  	_ =	shalt  }
0x4e: {  	_ =	shalt  }
0x4f: {  	_ =	shalt  }
0x50: {  	_ =	shalt  }
0x51: {  	_ =	shalt  }
0x52: {  	_ =	shalt  }
0x53: {  	_ =	shalt  }
0x54: {  	_ =	shalt  }
0x55: {  	_ =	shalt  }
0x56: {  	_ =	shalt  }
0x57: {  	_ =	shalt  }
0x58: {  	_ =	shalt  }
0x59: {  	_ =	shalt  }
0x5a: {  	_ =	shalt  }
0x5b: {  	_ =	shalt  }
0x5c: {  	_ =	shalt  }
0x5d: {  	_ =	shalt  }
0x5e: {  	_ =	shalt  }
0x5f: {  	_ =	shalt  }
0x60: {  	_ =	shalt  }
0x61: {  	_ =	shalt  }
0x62: {  	_ =	shalt  }
0x63: {  	_ =	shalt  }
0x64: {  	_ =	shalt  }
0x65: {  	_ =	shalt  }
0x66: {  	_ =	shalt  }
0x67: {  	_ =	shalt  }
0x68: {  	_ =	shalt  }
0x69: {  	_ =	shalt  }
0x6a: {  	_ =	shalt  }
0x6b: {  	_ =	shalt  }
0x6c: {  	_ =	shalt  }
0x6d: {  	_ =	shalt  }
0x6e: {  	_ =	shalt  }
0x6f: {  	_ =	shalt  }
0x70: {  	_ =	shalt  }
0x71: {  	_ =	shalt  }
0x72: {  	_ =	shalt  }
0x73: {  	_ =	shalt  }
0x74: {  	_ =	shalt  }
0x75: {  	_ =	shalt  }
0x76: {  	_ =	shalt  }
0x77: {  	_ =	shalt  }
0x78: {  	_ =	shalt  }
0x79: {  	_ =	shalt  }
0x7a: {  	_ =	shalt  }
0x7b: {  	_ =	shalt  }
0x7c: {  	_ =	shalt  }
0x7d: {  	_ =	shalt  }
0x7e: {  	_ =	shalt  }
0x7f: {  	_ =	shalt  }
0x80: {  	_ =	shalt  }
0x81: {  	_ =	shalt  }
0x82: {  	_ =	shalt  }
0x83: {  	_ =	shalt  }
0x84: {  	_ =	shalt  }
0x85: {  	_ =	shalt  }
0x86: {  	_ =	shalt  }
0x87: {  	_ =	shalt  }
.Lfunc_end0:
.L_simem_size_0:
called_computation.1_lowered:
.L_overlay_start_0:
0x88: {  	s2 =	sld [smem:$0x3FD9]  }
0x89: {  	s3 =	sld [smem:$0x3FFE];
	_ =	sdelay $0x1  }
0x8a: {  	s1 =	srdreg.scid  }
0x8b: {  	s0 =	sand.u32 $0x1, s1  }
0x8c: {  	s14 =	sshll.u32 s0, $0xA;
	s2 =	sadd.s32 s3, s2  }
0x8d: {  	s2 =	sadd.s32 s2, s14  }
0x8e: {  	[smem:$0x3FC3] =	sst s2  }
0x8f: {  	_ = 	snop  }
0x90: {  	s2 =	sld [smem:$0x3FD0];
	_ =	sdelay $0x2  }
0x91: {  	s15 =	simm.s32 $0xA;
	s4 =	simm.s32 $0x10  }
0x92: {  	[smem:s4], [sflag:s15] =	dma.local [hbm:s2], $0x1  }
0x93: {  	_ =	swait.eq [sflag:s15], $0x1  }
0x94: {  	[sflag:s15] =	ssyncset.done $0x0  }
0x95: {  	s16 =	sld [smem:$0x10];
	[sflag:s15] =	ssyncadd.s32 $0xFFFFFFFF  }
0x96: {  	s17 =	sld [smem:$0x11];
	(tm) =	ssettm $0x1  }
0x97: {  	s18 =	sld [smem:$0x3FFB];
	_ =	sdelay $0x3  }
0x98: {  	_ =	strace s18  }
0x99: {  	s4 =	sld [smem:$0x3FFC];
	_ =	sdelay $0x3  }
0x9a: {  	_ =	strace s4  }
0x9b: {  	s4 =	sld [smem:$0x3FFD];
	_ =	sdelay $0x3  }
0x9c: {  	_ =	strace s4  }
0x9d: {  	_ =	strace $0x8FFFFFFF  }
0x9e: {  	s19 =	sld [smem:$0x3FDB];
	_ =	sdelay $0x1  }
0x9f: {  	s5 =	simm.s32 $_scs_section_size  }
0xa0: {  	s6 =	simm.s32 $_size__tile_overlayer_lowered;
	s7 =	simm.s32 $_tile_overlayer_lowered  }
0xa1: {  	s22 =	simm.s32 $0x1BFF;
	s21 =	sshll.u32 s7, $0x1;
	s4 =	sadd.s32 s5, s19  }
0xa2: {  	s8 =	simm.s32 $0x0;
	s20 =	sshll.u32 s6, $0x1;
	s6 =	sadd.s32 s21, s4  }
0xa3: {  	[timem:s8], [sflag:s22] =	dma.local [hbm:s6], s20  }
0xa4: {  	_ =	swait.ge [sflag:s22], s20  }
0xa5: {  	s5 =	ssub.s32 $0x0, s20;
	[sflag:s22] =	ssyncset.done $0x0  }
0xa6: {  	[sflag:s22] =	ssyncadd.s32 s5;
	_ =	sdelay $0x1  }
0xa7: {  	s23 =	simm.s32 $0x1B8B  }
0xa8: {  	_ =	swait.ge [sflag:s23], $0x1  }
0xa9: {  	[sflag:s23] =	ssyncset.done $0x0  }
0xaa: {  	s25 =	simm.s32 $0x1B8E;
	s24 =	sld [smem:$0x3FFE];
	[sflag:s23] =	ssyncadd.s32 $0xFFFFFFFF  }
0xab: {  	s26 =	simm.s32 $execute0_lowered;
	[smem:$0x3FD2] =	sst s25  }
0xac: {  	s6 =	sshll.u32 s26, $0x1;
	_ =	strace $0x80000049;
	[dreg:$0x1] =	wrdreg $0xFFFFFFFF  }
0xad: {  	s28 =	simm.s32 $_size_execute0_lowered;
	s4 =	sadd.s32 s4, s6;
	[dreg:$0x0] =	wrdreg $0x0  }
0xae: {  	s6 =	sshll.u32 s28, $0x1;
	[dreg:$0x2] =	wrdreg s4  }
0xaf: {  	[dreg:$0x3] =	wrdreg s6  }
0xb0: {  	[dreg:$0x4] =	wrdreg $0xC0  }
0xb1: {  	_ =	task [dreg:s8], $0x5FFFF  }
0xb2: {  	[dreg:$0x1] =	wrdreg $0xFFFFFFFF  }
0xb3: {  	[dreg:$0x0] =	wrdreg $0x60  }
0xb4: {  	[dreg:$0x2] =	wrdreg s24  }
0xb5: {  	[dreg:$0x3] =	wrdreg s16  }
0xb6: {  	[dreg:$0x4] =	wrdreg s17  }
0xb7: {  	[dreg:$0x5] =	wrdreg $0x90000  }
0xb8: {  	[dreg:$0x6] =	wrdreg $0x9  }
0xb9: {  	_ =	task.clear_ibuf [dreg:s8], $0x7FFFF;
	_ =	strace $0x90000049  }
0xba: {  	s29 =	simm.s32 $0x9;
	_ =	strace $0x8000004B  }
0xbb: {  	_ =	swait.ge [sflag:s29], $0x1  }
0xbc: {  	[sflag:s29] =	ssyncadd.s32 $0xFFFFFFFF  }
0xbd: {  	_ =	strace $0x9000004B  }
0xbe: {  	_ =	sfence  }
0xbf: {  	s30 =	sld [smem:$0x0];
	_ =	sdelay $0x2  }
0xc0: {  	s31 =	sshll.u32 s1, $0xD;
	s1 =	sshrl.u32 s1, $0x2  }
0xc1: {  	s3 =	sand.u32 $0x4000, s31;
	s1 =	sadd.s32 s1, s30  }
0xc2: {  	s0 =	sor.u32 s3, s0;
	s1 =	sshll.u32 s1, $0x11  }
0xc3: {  	s0 =	sor.u32 s1, s0  }
0xc4: {  	s0 =	sadd.s32 $0x8F2B, s0  }
0xc5: {  	[sflag:s0] =	ssyncadd.remote.s32 $0x1  }
0xc6: {  	_ =	sfence.sel $0xFFFF  }
0xc7: {  	[dreg:$0x0] =	wrdreg $0xFFFFFFFF;
	(pc) =	sbr.abs _section_cstart, $3  }
0xc8: {  	[dreg:$0x1] =	wrdreg $0xFFFFFFFF  }
0xc9: {  	_ =	task.clear_ibuf [dreg:s8], $0x2FFFF;
	_ =	strace $0x9FFFFFFF  }
0xca: {  	(tm) =	ssettm $0x7FFFFFFF  }
0xcb: {  	_ =	shalt  }
tec
execute0_lowered:
.L_overlay_start_1:
0x0: {  	(tag) =	ssettag $0x1  }
0x1: {  	s5 =	rddreg [dreg:$0x0]  }
0x2: {  	s10 =	rddreg [dreg:$0x1]  }
0x3: {  	s11 =	rddreg [dreg:$0x2]  }
0x4: {  	s1 =	rddreg [dreg:$0x3]  }
0x5: {  	s0 =	rddreg [dreg:$0x4]  }
0x6: {  	s2 =	simm.s32 $0x0;
	s3 =	srdreg.scid;
	s15 =	simm.s32 $0x2800  }
0x7: {  	s16 =	simm.s32 $0x80;
	[smem:$0x7FF] =	sst s2;
	s6 =	sand.u32 $0x1, s3  }
0x8: {  	s17 =	simm.s32 $0x1;
	s3 =	stileid.u32;
	s7 =	smul.u32 $0x27800, s6  }
0x9: {  	s4 =	sadd.s32 $0x2400, s5;
	_ =	strace $0x8000004A;
	s8 =	smul.u32 $0x4F000, s3  }
0xa: {  	s30 =	ssub.s32 $0x2, s6;
	s6 =	sshll.u32 s6, $0x4;
	s19 =	smul.u32 $0x2780, s3  }
0xb: {  	s20 =	sshll.u32 s3, $0x6;
	s31 =	sshrl.u32 s30, $0x1;
	s6 =	sor.u32 s3, s6  }
0xc: {  	s12 =	sadd.s32 s7, s5;
	s8 =	sshrl.u32 s8, $0x2;
	s13 =	ssub.s32 s30, s31  }
0xd: {  	s14 =	smul.u32 $0x500, s6;
	s5 =	sadd.s32 s8, s1;
	s18 =	sadd.s32 $0x77A00, s12  }
0xe: {  	s12 =	smax.u32 s13, $0x1;
	s13 =	simm.s32 $0x5000;
	s6 =	sadd.s32 $0x4000, s5  }
0xf: {  	s7 =	sadd.s32 $0x8000, s5;
	s8 =	sadd.s32 $0xC000, s5;
	s9 =	sadd.s32 $0x10000, s5  }
0x10: {  	s10 =	sadd.s32 s10, s14;
	s11 =	sadd.s32 s11, s14;
	s14 =	simm.s32 $0x2  }
0x11: {  	v0 =	vimm.f32 $0.0e+00;
	s18 =	sadd.s32 s19, s18;
	s19 =	sor.u32 $0x1C02, s20;
	s20 =	sshrl.u32 s5, $0x3  }
.LBB2_1:
0x12: {  	s21 =	simm.s32 $0x0;
	s22 =	simm.s32 $0x200  }
.LBB2_2:
0x13: {  	p0 =	sne.s32 s22, $0xFE00;
	[tilespmem:s21+$0x5070] =	vst v0  }
0x14: {  	[tilespmem:s21+$0x5000] =	vst v0  }
0x15: {  	[tilespmem:s21+$0x5010] =	vst v0  }
.Ltmp0:
0x16: {  	[tilespmem:s21+$0x5020] =	vst v0;
	(pc) =	sbr.rel @p0 .LBB2_2-.Ltmp0, $4  }
0x17: {  	[tilespmem:s21+$0x5030] =	vst v0  }
0x18: {  	[tilespmem:s21+$0x5040] =	vst v0  }
0x19: {  	[tilespmem:s21+$0x5050] =	vst v0  }
0x1a: {  	[tilespmem:s21+$0x5060] =	vst v0;
	s21 =	sshra.s32 s22, $0x2;
	s22 =	sadd.s32 $0x200, s22  }
0x1b: {  	[tilespmem:s21+$0x5070] =	vst v0  }
0x1c: {  	[tilespmem:s21+$0x5000] =	vst v0  }
0x1d: {  	[tilespmem:s21+$0x5010] =	vst v0  }
0x1e: {  	[tilespmem:s21+$0x5020] =	vst v0  }
0x1f: {  	[tilespmem:s21+$0x5030] =	vst v0  }
0x20: {  	[tilespmem:s21+$0x5040] =	vst v0  }
0x21: {  	[tilespmem:s21+$0x5050] =	vst v0  }
0x22: {  	[tilespmem:s21+$0x5060] =	vst v0  }
0x23: {  	[spmem:s5] =	stream.linear.scatter [tilespmem:s13], [sflag:$0x2], $0x4000, $0x38;
	[tilespmem:$0x1CC00] =	vst v63  }
0x24: {  	_ =	swait.ge [sflag:s14], $0x4000  }
0x25: {  	[sflag:s14] =	ssyncset.done $0x0  }
0x26: {  	[sflag:s14] =	ssyncadd.s32 $0xFFFFC000  }
0x27: {  	[spmem:s6] =	stream.linear.scatter [tilespmem:s13], [sflag:$0x2], $0x4000, $0x38;
	[tilespmem:$0x1CC00] =	vst v63  }
0x28: {  	_ =	swait.ge [sflag:s14], $0x4000  }
0x29: {  	[sflag:s14] =	ssyncset.done $0x0  }
0x2a: {  	[sflag:s14] =	ssyncadd.s32 $0xFFFFC000  }
0x2b: {  	[spmem:s7] =	stream.linear.scatter [tilespmem:s13], [sflag:$0x2], $0x4000, $0x38;
	[tilespmem:$0x1CC00] =	vst v63  }
0x2c: {  	_ =	swait.ge [sflag:s14], $0x4000  }
0x2d: {  	[sflag:s14] =	ssyncset.done $0x0  }
0x2e: {  	[sflag:s14] =	ssyncadd.s32 $0xFFFFC000  }
0x2f: {  	[spmem:s8] =	stream.linear.scatter [tilespmem:s13], [sflag:$0x2], $0x4000, $0x38;
	[tilespmem:$0x1CC00] =	vst v63  }
0x30: {  	_ =	swait.ge [sflag:s14], $0x4000  }
0x31: {  	[sflag:s14] =	ssyncset.done $0x0  }
0x32: {  	[sflag:s14] =	ssyncadd.s32 $0xFFFFC000  }
0x33: {  	[spmem:s9] =	stream.linear.scatter [tilespmem:s13], [sflag:$0x2], $0x3C00, $0x38;
	[tilespmem:$0x1CC00] =	vst v63  }
0x34: {  	_ =	swait.ge [sflag:s14], $0x3C00  }
0x35: {  	[sflag:s14] =	ssyncset.done $0x0  }
0x36: {  	s29 =	simm.s32 $0x0;
	[sflag:s14] =	ssyncadd.s32 $0xFFFFC400  }
0x37: {  	[tilespmem:s29], [sflag:$0x2] =	stream.linear.gather [hbm4b:s10+s29], $0x2780, $0x38;
	[tilespmem:$0x1CC00] =	vst v63  }
0x38: {  	_ =	swait.ge [sflag:s14], $0x2780  }
0x39: {  	[sflag:s14] =	ssyncset.done $0x0  }
0x3a: {  	[sflag:s14] =	ssyncadd.s32 $0xFFFFD880  }
0x3b: {  	[tilespmem:s15], [sflag:$0x2] =	stream.linear.gather [hbm4b:s11+s29], $0x2780, $0x38;
	[tilespmem:$0x1CC00] =	vst v63  }
0x3c: {  	_ =	swait.ge [sflag:s14], $0x2780  }
0x3d: {  	[sflag:s14] =	ssyncset.done $0x0  }
0x3e: {  	[sflag:s14] =	ssyncadd.s32 $0xFFFFD880  }
0x3f: {  	s30 =	simm.s32 $0x0;
	[bflag:$0x0] =	sbarrier.arrive $0xFFFF  }
0x40: {  	[tilespmem:s13], [sflag:$0x1] =	stream.indirect.gather [hbm4b:s4+s16], $0x80, s30, s16, $0xb8;
	[tilespmem:$0x1CC00] =	vst v63  }
0x41: {  	_ =	swait.ge [sflag:s17], $0x4000  }
0x42: {  	[sflag:s17] =	ssyncset.done $0x0  }
0x43: {  	s31 =	simm.s32 $0x2800;
	[sflag:s17] =	ssyncadd.s32 $0xFFFFC000  }
0x44: {  	[spmem:s1] =	stream.indirect.scatter.add.f32 [tilespmem:s13], [sflag:$0x2], $0x80, s31, s16, $0xb8;
	[tilespmem:$0x1CC00] =	vst v63  }
0x45: {  	_ =	swait.ge [sflag:s14], $0x4000  }
0x46: {  	s21 =	simm.s32 $0x200;
	s22 =	simm.s32 $0x400;
	[sflag:s14] =	ssyncset.done $0x0  }
.LBB2_4:
0x47: {  	s23 =	sshra.s32 s21, $0x2  }
0x48: {  	[sflag:s14] =	ssyncadd.s32 $0xFFFFC000;
	s21 =	smov.u32 s22;
	s24 =	sadd.s32 $0x200, s22  }
0x49: {  	[tilespmem:s13], [sflag:$0x1] =	stream.indirect.gather [hbm4b:s4+s16], $0x80, s23, s16, $0xb8;
	[tilespmem:$0x1CC00] =	vst v63  }
0x4a: {  	p0 =	sne.s32 s22, $0x9C00;
	_ =	swait.ge [sflag:s17], $0x4000  }
.Ltmp1:
0x4b: {  	[sflag:s17] =	ssyncset.done $0x0;
	(pc) =	sbr.rel @p0 .LBB2_4-.Ltmp1, $4  }
0x4c: {  	s22 =	sadd.s32 $0x2800, s23;
	[sflag:s17] =	ssyncadd.s32 $0xFFFFC000  }
0x4d: {  	[spmem:s1] =	stream.indirect.scatter.add.f32 [tilespmem:s13], [sflag:$0x2], $0x80, s22, s16, $0xb8;
	[tilespmem:$0x1CC00] =	vst v63  }
0x4e: {  	_ =	swait.ge [sflag:s14], $0x4000  }
0x4f: {  	s22 =	smov.u32 s24;
	[sflag:s14] =	ssyncset.done $0x0  }
0x50: {  	s21 =	sshra.s32 s21, $0x2;
	[sflag:s14] =	ssyncadd.s32 $0xFFFFC000  }
0x51: {  	[tilespmem:s13], [sflag:$0x1] =	stream.indirect.gather [hbm4b:s4+s16], $0x80, s21, s16, $0xb8;
	[tilespmem:$0x1CC00] =	vst v63  }
0x52: {  	_ =	swait.ge [sflag:s17], $0x4000  }
0x53: {  	[sflag:s17] =	ssyncset.done $0x0  }
0x54: {  	s21 =	sadd.s32 $0x2800, s21;
	[sflag:s17] =	ssyncadd.s32 $0xFFFFC000  }
0x55: {  	[spmem:s1] =	stream.indirect.scatter.add.f32 [tilespmem:s13], [sflag:$0x2], $0x80, s21, s16, $0xb8;
	[tilespmem:$0x1CC00] =	vst v63  }
0x56: {  	_ =	swait.ge [sflag:s14], $0x4000  }
0x57: {  	s2 =	sadd.s32 $0x1, s2;
	[sflag:s14] =	ssyncset.done $0x0  }
0x58: {  	p0 =	sne.s32 s2, s12;
	[sflag:s14] =	ssyncadd.s32 $0xFFFFC000  }
.Ltmp2:
0x59: {  	[bflag:$0x0] =	sbarrier.arrive $0xFFFF;
	(pc) =	sbr.rel @p0 .LBB2_1-.Ltmp2, $4  }
0x5a: {  	[hbm:s18], [sflag:s19] =	dma.local [spmem:s20], $0x2780  }
0x5b: {  	_ =	swait.ge [sflag:s14], $0x2780  }
0x5c: {  	[sflag:s14] =	ssyncset.done $0x0  }
0x5d: {  	[sflag:s14] =	ssyncadd.s32 $0xFFFFD880  }
0x5e: {  	_ =	sfence.sel $0x180000  }
0x5f: {  	[bflag:$0x0] =	sbarrier.arrive $0xFFFF  }
0x60: {  	p0 =	sne.s32 s3, $0x0;
	_ =	strace $0x9000004A  }
0x61: {  	s0 =	sadd.s32 @!p0 $0x100000, s0;
	[bflag:$0x2] =	sbarrier.arrive $0xFFFF  }
0x62: {  	[sflag:s0] =	ssyncadd.tile.s32 @!p0 $0x1;
	_ =	shalt  }
.Lfunc_end2:
_tile_overlayer_lowered:
.L_overlay_start_2:
0x63: {  	(tag) =	ssettag $0x2  }
0x64: {  	s0 =	rddreg [dreg:$0x0];
	s2 =	stileid.u32  }
0x65: {  	s1 =	rddreg [dreg:$0x1];
	p0 =	sne.s32 s2, $0x0  }
0x66: {  	s3 =	rddreg [dreg:$0x2];
	[bflag:$0x3] =	sbarrier.arrive $0xFFFF;
	s2 =	simm.s32 @!p0 $0x1C02  }
0x67: {  	[timem:s3], [sflag:s2] =	dma.local @!p0 [hbm:s0], s1  }
0x68: {  	s0 =	simm.s32 @!p0 $0x2  }
0x69: {  	_ =	swait.ge @!p0 [sflag:s0], s1  }
0x6a: {  	s1 =	ssub.s32 @!p0 $0x0, s1;
	[sflag:s0] =	ssyncset.done @!p0 $0x0  }
0x6b: {  	[sflag:s0] =	ssyncadd.s32 @!p0 s1  }
0x6c: {  	[bflag:$0x3] =	sbarrier.arrive $0xFFFF  }
0x6d: {  	_ =	shalt  }

// kernel: kernel.14.cloned.1.call-start
scs
__scs_entry_jumppad:
0x0: {  	(pc) =	sbr.rel $0x88, $3  }
0x1: {  	(tag) =	ssettag $0x0;
	lr =	simm.s32 $0x1  }
0x2: {  	[smem:$0x3F9C] =	sst lr;
	_ =	strace $0xD0000000  }
0x3: {  	_ = 	snop  }
0x4: {  	_ = 	snop  }
0x5: {  	_ = 	snop  }
0x6: {  	_ = 	snop  }
0x7: {  	_ = 	snop  }
__scs_overlays_trampoline_lowered:
0x8: {  	[smem:$0x3FAB] =	sst s0  }
0x9: {  	[smem:$0x3FAC] =	sst s1  }
0xa: {  	[smem:$0x3FAD] =	sst s2  }
0xb: {  	[smem:$0x3FAE] =	sst s3  }
0xc: {  	[smem:$0x3FAF] =	sst s4  }
0xd: {  	[smem:$0x3FB0] =	sst s5  }
0xe: {  	[smem:$0x3FB1] =	sst s6  }
0xf: {  	[smem:$0x3FB2] =	sst s7  }
0x10: {  	[smem:$0x3FB3] =	sst s8  }
0x11: {  	[smem:$0x3FB4] =	sst s9;
	s0 =	simm.s32 @!p0 $0x0  }
0x12: {  	s1 =	sld [smem:$0x3F9A];
	s0 =	simm.s32 @p0 $0x1  }
0x13: {  	[smem:$0x3FB5] =	sst s0;
	s0 =	simm.s32 @!p1 $0x0  }
0x14: {  	s2 =	sld [smem:$0x3F99];
	s0 =	simm.s32 @p1 $0x1  }
0x15: {  	[smem:$0x3FB6] =	sst s0;
	s0 =	simm.s32 @!p2 $0x0  }
0x16: {  	s3 =	sld [smem:$0x3FDB];
	s0 =	simm.s32 @p2 $0x1  }
0x17: {  	s4 =	simm.s32 $0x1BF5;
	[smem:$0x3FB8] =	sst s0  }
0x18: {  	s0 =	sld [smem:$0x3F9B];
	_ =	swait.ge [sflag:s4], $0x0  }
0x19: {  	s7 =	sld [smem:$0x3F9C]  }
0x1a: {  	s8 =	sadd.s32 $0xFFFFE003, lr  }
0x1b: {  	s9 =	sadd.s32 $0xFFFFFEF7, lr;
	s5 =	simm.s32 $0xFFFFFFFF;
	p2 =	slt.u32 s8, $0xFFFFF086  }
0x1c: {  	p1 =	slt.u32 s9, $0xF7A;
	s5 =	simm.s32 @!p2 $0x0  }
0x1d: {  	s5 =	simm.s32 @p1 $0x1;
	p0 =	seq.s32 s7, s2  }
0x1e: {  	s7 =	smul.u32 @!p0 $0xF7A, s2;
	p2 =	seq.s32 @!p0 s5, $0x0  }
0x1f: {  	s9 =	smul.u32 $0xF7A, s1;
	s8 =	simm.s32 @!p0 $0x1BF5;
	p2 =	por !p2, p0  }
0x20: {  	[sflag:s8] =	ssyncset.s32 @!p0 $0xFFFFF086;
	s6 =	sadd.s32 @!p0 s3, s7;
	s7 =	simm.s32 @!p0 $0x108  }
0x21: {  	s3 =	sadd.s32 s3, s9;
	s6 =	sadd.s32 @!p0 $0x88, s6;
	s7 =	simm.s32 @p2 $0x1082  }
0x22: {  	[simem:s7], [sflag:s8] =	dma.local @!p0 [hbm:s6], $0xF7A  }
0x23: {  	s9 =	sor.u32 $0xD0000000, s2;
	s6 =	simm.s32 $0x108;
	_ =	swait.ge @!p0 [sflag:s8], $0x0  }
0x24: {  	s3 =	sadd.s32 $0x88, s3;
	s6 =	simm.s32 @!p1 $0x1082;
	[sflag:s4] =	ssyncset.s32 $0xFFFFF086  }
0x25: {  	[simem:s6], [sflag:s4] =	dma.local [hbm:s3], $0xF7A  }
0x26: {  	[smem:$0x3F9C] =	sst s1;
	(tag) =	ssettag s2;
	_ =	strace s9  }
0x27: {  	s1 =	sld [smem:$0x3FAC]  }
0x28: {  	s2 =	sld [smem:$0x3FAD]  }
0x29: {  	s4 =	sld [smem:$0x3FAF]  }
0x2a: {  	p0 =	seq.s32 s5, $0x0;
	s5 =	sld [smem:$0x3FB0]  }
0x2b: {  	s6 =	sld [smem:$0x3FB1]  }
0x2c: {  	s7 =	sld [smem:$0x3FB2]  }
0x2d: {  	s3 =	simm.s32 $0x108;
	s8 =	sld [smem:$0x3FB3]  }
0x2e: {  	s3 =	simm.s32 @!p0 $0x1082;
	s9 =	sld [smem:$0x3FB4]  }
0x2f: {  	lr =	sadd.s32 s0, s3;
	s0 =	sld [smem:$0x3FAB]  }
0x30: {  	s3 =	sld [smem:$0x3FAE]  }
0x31: {  	[smem:$0x3FB7] =	sst s10  }
0x32: {  	s10 =	sld [smem:$0x3FB5];
	_ =	sdelay $0x3  }
0x33: {  	p0 =	seq.s32 s10, $0x1;
	s10 =	sld [smem:$0x3FB7];
	_ =	sdelay $0x3  }
0x34: {  	[smem:$0x3FB7] =	sst s10  }
0x35: {  	s10 =	sld [smem:$0x3FB6];
	_ =	sdelay $0x3  }
0x36: {  	p1 =	seq.s32 s10, $0x1;
	s10 =	sld [smem:$0x3FB7];
	_ =	sdelay $0x3  }
0x37: {  	[smem:$0x3FB7] =	sst s10  }
0x38: {  	s10 =	sld [smem:$0x3FB8]  }
0x39: {  	_ = 	snop;
	(pc) =	sbr.ind lr, $3  }
0x3a: {  	_ = 	snop  }
0x3b: {  	_ = 	snop  }
0x3c: {  	p2 =	seq.s32 s10, $0x1;
	s10 =	sld [smem:$0x3FB7]  }
0x3d: {  	_ =	shalt  }
0x3e: {  	_ =	shalt  }
0x3f: {  	_ =	shalt  }
0x40: {  	_ =	shalt  }
0x41: {  	_ =	shalt  }
0x42: {  	_ =	shalt  }
0x43: {  	_ =	shalt  }
0x44: {  	_ =	shalt  }
0x45: {  	_ =	shalt  }
0x46: {  	_ =	shalt  }
0x47: {  	_ =	shalt  }
0x48: {  	_ =	shalt  }
0x49: {  	_ =	shalt  }
0x4a: {  	_ =	shalt  }
0x4b: {  	_ =	shalt  }
0x4c: {  	_ =	shalt  }
0x4d: {  	_ =	shalt  }
0x4e: {  	_ =	shalt  }
0x4f: {  	_ =	shalt  }
0x50: {  	_ =	shalt  }
0x51: {  	_ =	shalt  }
0x52: {  	_ =	shalt  }
0x53: {  	_ =	shalt  }
0x54: {  	_ =	shalt  }
0x55: {  	_ =	shalt  }
0x56: {  	_ =	shalt  }
0x57: {  	_ =	shalt  }
0x58: {  	_ =	shalt  }
0x59: {  	_ =	shalt  }
0x5a: {  	_ =	shalt  }
0x5b: {  	_ =	shalt  }
0x5c: {  	_ =	shalt  }
0x5d: {  	_ =	shalt  }
0x5e: {  	_ =	shalt  }
0x5f: {  	_ =	shalt  }
0x60: {  	_ =	shalt  }
0x61: {  	_ =	shalt  }
0x62: {  	_ =	shalt  }
0x63: {  	_ =	shalt  }
0x64: {  	_ =	shalt  }
0x65: {  	_ =	shalt  }
0x66: {  	_ =	shalt  }
0x67: {  	_ =	shalt  }
0x68: {  	_ =	shalt  }
0x69: {  	_ =	shalt  }
0x6a: {  	_ =	shalt  }
0x6b: {  	_ =	shalt  }
0x6c: {  	_ =	shalt  }
0x6d: {  	_ =	shalt  }
0x6e: {  	_ =	shalt  }
0x6f: {  	_ =	shalt  }
0x70: {  	_ =	shalt  }
0x71: {  	_ =	shalt  }
0x72: {  	_ =	shalt  }
0x73: {  	_ =	shalt  }
0x74: {  	_ =	shalt  }
0x75: {  	_ =	shalt  }
0x76: {  	_ =	shalt  }
0x77: {  	_ =	shalt  }
0x78: {  	_ =	shalt  }
0x79: {  	_ =	shalt  }
0x7a: {  	_ =	shalt  }
0x7b: {  	_ =	shalt  }
0x7c: {  	_ =	shalt  }
0x7d: {  	_ =	shalt  }
0x7e: {  	_ =	shalt  }
0x7f: {  	_ =	shalt  }
0x80: {  	_ =	shalt  }
0x81: {  	_ =	shalt  }
0x82: {  	_ =	shalt  }
0x83: {  	_ =	shalt  }
0x84: {  	_ =	shalt  }
0x85: {  	_ =	shalt  }
0x86: {  	_ =	shalt  }
0x87: {  	_ =	shalt  }
.Lfunc_end0:
.L_simem_size_0:
called_computation.2_lowered:
.L_overlay_start_0:
0x88: {  	s2 =	sld [smem:$0x3FD9]  }
0x89: {  	s3 =	sld [smem:$0x3FFE];
	_ =	sdelay $0x1  }
0x8a: {  	s1 =	srdreg.scid  }
0x8b: {  	s0 =	sand.u32 $0x1, s1  }
0x8c: {  	s14 =	sshll.u32 s0, $0xA;
	s2 =	sadd.s32 s3, s2  }
0x8d: {  	s2 =	sadd.s32 s2, s14  }
0x8e: {  	[smem:$0x3FC3] =	sst s2  }
0x8f: {  	_ = 	snop  }
0x90: {  	s2 =	sld [smem:$0x3FD0];
	_ =	sdelay $0x2  }
0x91: {  	s15 =	simm.s32 $0xA;
	s4 =	simm.s32 $0x10  }
0x92: {  	[smem:s4], [sflag:s15] =	dma.local [hbm:s2], $0x1  }
0x93: {  	_ =	swait.eq [sflag:s15], $0x1  }
0x94: {  	[sflag:s15] =	ssyncset.done $0x0  }
0x95: {  	s16 =	sld [smem:$0x10];
	[sflag:s15] =	ssyncadd.s32 $0xFFFFFFFF  }
0x96: {  	s17 =	sld [smem:$0x11];
	(tm) =	ssettm $0x1  }
0x97: {  	s18 =	sld [smem:$0x3FFB];
	_ =	sdelay $0x3  }
0x98: {  	_ =	strace s18  }
0x99: {  	s4 =	sld [smem:$0x3FFC];
	_ =	sdelay $0x3  }
0x9a: {  	_ =	strace s4  }
0x9b: {  	s4 =	sld [smem:$0x3FFD];
	_ =	sdelay $0x3  }
0x9c: {  	_ =	strace s4  }
0x9d: {  	_ =	strace $0x8FFFFFFF  }
0x9e: {  	s19 =	sld [smem:$0x3FDB];
	_ =	sdelay $0x1  }
0x9f: {  	s5 =	simm.s32 $_scs_section_size  }
0xa0: {  	s6 =	simm.s32 $_size__tile_overlayer_lowered;
	s7 =	simm.s32 $_tile_overlayer_lowered  }
0xa1: {  	s22 =	simm.s32 $0x1BFF;
	s21 =	sshll.u32 s7, $0x1;
	s4 =	sadd.s32 s5, s19  }
0xa2: {  	s8 =	simm.s32 $0x0;
	s20 =	sshll.u32 s6, $0x1;
	s6 =	sadd.s32 s21, s4  }
0xa3: {  	[timem:s8], [sflag:s22] =	dma.local [hbm:s6], s20  }
0xa4: {  	_ =	swait.ge [sflag:s22], s20  }
0xa5: {  	s5 =	ssub.s32 $0x0, s20;
	[sflag:s22] =	ssyncset.done $0x0  }
0xa6: {  	[sflag:s22] =	ssyncadd.s32 s5;
	_ =	sdelay $0x1  }
0xa7: {  	s23 =	simm.s32 $0x1B8B  }
0xa8: {  	_ =	swait.ge [sflag:s23], $0x1  }
0xa9: {  	[sflag:s23] =	ssyncset.done $0x0  }
0xaa: {  	s25 =	simm.s32 $0x1B8E;
	s24 =	sld [smem:$0x3FFE];
	[sflag:s23] =	ssyncadd.s32 $0xFFFFFFFF  }
0xab: {  	s26 =	simm.s32 $execute0_lowered;
	[smem:$0x3FD2] =	sst s25  }
0xac: {  	s6 =	sshll.u32 s26, $0x1;
	_ =	strace $0x8000004C;
	[dreg:$0x1] =	wrdreg $0xFFFFFFFF  }
0xad: {  	s28 =	simm.s32 $_size_execute0_lowered;
	s4 =	sadd.s32 s4, s6;
	[dreg:$0x0] =	wrdreg $0x0  }
0xae: {  	s6 =	sshll.u32 s28, $0x1;
	[dreg:$0x2] =	wrdreg s4  }
0xaf: {  	[dreg:$0x3] =	wrdreg s6  }
0xb0: {  	[dreg:$0x4] =	wrdreg $0xC0  }
0xb1: {  	_ =	task [dreg:s8], $0x5FFFF  }
0xb2: {  	[dreg:$0x1] =	wrdreg $0xFFFFFFFF  }
0xb3: {  	[dreg:$0x0] =	wrdreg $0x60  }
0xb4: {  	[dreg:$0x2] =	wrdreg s24  }
0xb5: {  	[dreg:$0x3] =	wrdreg s16  }
0xb6: {  	[dreg:$0x4] =	wrdreg s17  }
0xb7: {  	[dreg:$0x5] =	wrdreg $0x90000  }
0xb8: {  	[dreg:$0x6] =	wrdreg $0x9  }
0xb9: {  	_ =	task.clear_ibuf [dreg:s8], $0x7FFFF;
	_ =	strace $0x9000004C  }
0xba: {  	s29 =	simm.s32 $0x9;
	_ =	strace $0x8000004E  }
0xbb: {  	_ =	swait.ge [sflag:s29], $0x1  }
0xbc: {  	[sflag:s29] =	ssyncadd.s32 $0xFFFFFFFF  }
0xbd: {  	_ =	strace $0x9000004E  }
0xbe: {  	_ =	sfence  }
0xbf: {  	s30 =	sld [smem:$0x0];
	_ =	sdelay $0x2  }
0xc0: {  	s31 =	sshll.u32 s1, $0xD;
	s1 =	sshrl.u32 s1, $0x2  }
0xc1: {  	s3 =	sand.u32 $0x4000, s31;
	s1 =	sadd.s32 s1, s30  }
0xc2: {  	s0 =	sor.u32 s3, s0;
	s1 =	sshll.u32 s1, $0x11  }
0xc3: {  	s0 =	sor.u32 s1, s0  }
0xc4: {  	s0 =	sadd.s32 $0x8F2B, s0  }
0xc5: {  	[sflag:s0] =	ssyncadd.remote.s32 $0x1  }
0xc6: {  	_ =	sfence.sel $0xFFFF  }
0xc7: {  	[dreg:$0x0] =	wrdreg $0xFFFFFFFF;
	(pc) =	sbr.abs _section_cstart, $3  }
0xc8: {  	[dreg:$0x1] =	wrdreg $0xFFFFFFFF  }
0xc9: {  	_ =	task.clear_ibuf [dreg:s8], $0x2FFFF;
	_ =	strace $0x9FFFFFFF  }
0xca: {  	(tm) =	ssettm $0x7FFFFFFF  }
0xcb: {  	_ =	shalt  }
tec
execute0_lowered:
.L_overlay_start_1:
0x0: {  	(tag) =	ssettag $0x1  }
0x1: {  	s5 =	rddreg [dreg:$0x0]  }
0x2: {  	s10 =	rddreg [dreg:$0x1]  }
0x3: {  	s11 =	rddreg [dreg:$0x2]  }
0x4: {  	s1 =	rddreg [dreg:$0x3]  }
0x5: {  	s0 =	rddreg [dreg:$0x4]  }
0x6: {  	s2 =	simm.s32 $0x0;
	s3 =	srdreg.scid;
	s15 =	simm.s32 $0x2800  }
0x7: {  	s16 =	simm.s32 $0x80;
	[smem:$0x7FF] =	sst s2;
	s6 =	sand.u32 $0x1, s3  }
0x8: {  	s17 =	simm.s32 $0x1;
	s3 =	stileid.u32;
	s7 =	smul.u32 $0x27800, s6  }
0x9: {  	s4 =	sadd.s32 $0x2400, s5;
	_ =	strace $0x8000004D;
	s8 =	smul.u32 $0x4F000, s3  }
0xa: {  	s30 =	ssub.s32 $0x2, s6;
	s6 =	sshll.u32 s6, $0x4;
	s19 =	smul.u32 $0x2780, s3  }
0xb: {  	s20 =	sshll.u32 s3, $0x6;
	s31 =	sshrl.u32 s30, $0x1;
	s6 =	sor.u32 s3, s6  }
0xc: {  	s12 =	sadd.s32 s7, s5;
	s8 =	sshrl.u32 s8, $0x2;
	s13 =	ssub.s32 s30, s31  }
0xd: {  	s14 =	smul.u32 $0x500, s6;
	s5 =	sadd.s32 s8, s1;
	s18 =	sadd.s32 $0x77A00, s12  }
0xe: {  	s12 =	smax.u32 s13, $0x1;
	s13 =	simm.s32 $0x5000;
	s6 =	sadd.s32 $0x4000, s5  }
0xf: {  	s7 =	sadd.s32 $0x8000, s5;
	s8 =	sadd.s32 $0xC000, s5;
	s9 =	sadd.s32 $0x10000, s5  }
0x10: {  	s10 =	sadd.s32 s10, s14;
	s11 =	sadd.s32 s11, s14;
	s14 =	simm.s32 $0x2  }
0x11: {  	v0 =	vimm.f32 $0.0e+00;
	s18 =	sadd.s32 s19, s18;
	s19 =	sor.u32 $0x1C02, s20;
	s20 =	sshrl.u32 s5, $0x3  }
.LBB2_1:
0x12: {  	s21 =	simm.s32 $0x0;
	s22 =	simm.s32 $0x200  }
.LBB2_2:
0x13: {  	p0 =	sne.s32 s22, $0xFE00;
	[tilespmem:s21+$0x5070] =	vst v0  }
0x14: {  	[tilespmem:s21+$0x5000] =	vst v0  }
0x15: {  	[tilespmem:s21+$0x5010] =	vst v0  }
.Ltmp0:
0x16: {  	[tilespmem:s21+$0x5020] =	vst v0;
	(pc) =	sbr.rel @p0 .LBB2_2-.Ltmp0, $4  }
0x17: {  	[tilespmem:s21+$0x5030] =	vst v0  }
0x18: {  	[tilespmem:s21+$0x5040] =	vst v0  }
0x19: {  	[tilespmem:s21+$0x5050] =	vst v0  }
0x1a: {  	[tilespmem:s21+$0x5060] =	vst v0;
	s21 =	sshra.s32 s22, $0x2;
	s22 =	sadd.s32 $0x200, s22  }
0x1b: {  	[tilespmem:s21+$0x5070] =	vst v0  }
0x1c: {  	[tilespmem:s21+$0x5000] =	vst v0  }
0x1d: {  	[tilespmem:s21+$0x5010] =	vst v0  }
0x1e: {  	[tilespmem:s21+$0x5020] =	vst v0  }
0x1f: {  	[tilespmem:s21+$0x5030] =	vst v0  }
0x20: {  	[tilespmem:s21+$0x5040] =	vst v0  }
0x21: {  	[tilespmem:s21+$0x5050] =	vst v0  }
0x22: {  	[tilespmem:s21+$0x5060] =	vst v0  }
0x23: {  	[spmem:s5] =	stream.linear.scatter [tilespmem:s13], [sflag:$0x2], $0x4000, $0x38;
	[tilespmem:$0x1CC00] =	vst v63  }
0x24: {  	_ =	swait.ge [sflag:s14], $0x4000  }
0x25: {  	[sflag:s14] =	ssyncset.done $0x0  }
0x26: {  	[sflag:s14] =	ssyncadd.s32 $0xFFFFC000  }
0x27: {  	[spmem:s6] =	stream.linear.scatter [tilespmem:s13], [sflag:$0x2], $0x4000, $0x38;
	[tilespmem:$0x1CC00] =	vst v63  }
0x28: {  	_ =	swait.ge [sflag:s14], $0x4000  }
0x29: {  	[sflag:s14] =	ssyncset.done $0x0  }
0x2a: {  	[sflag:s14] =	ssyncadd.s32 $0xFFFFC000  }
0x2b: {  	[spmem:s7] =	stream.linear.scatter [tilespmem:s13], [sflag:$0x2], $0x4000, $0x38;
	[tilespmem:$0x1CC00] =	vst v63  }
0x2c: {  	_ =	swait.ge [sflag:s14], $0x4000  }
0x2d: {  	[sflag:s14] =	ssyncset.done $0x0  }
0x2e: {  	[sflag:s14] =	ssyncadd.s32 $0xFFFFC000  }
0x2f: {  	[spmem:s8] =	stream.linear.scatter [tilespmem:s13], [sflag:$0x2], $0x4000, $0x38;
	[tilespmem:$0x1CC00] =	vst v63  }
0x30: {  	_ =	swait.ge [sflag:s14], $0x4000  }
0x31: {  	[sflag:s14] =	ssyncset.done $0x0  }
0x32: {  	[sflag:s14] =	ssyncadd.s32 $0xFFFFC000  }
0x33: {  	[spmem:s9] =	stream.linear.scatter [tilespmem:s13], [sflag:$0x2], $0x3C00, $0x38;
	[tilespmem:$0x1CC00] =	vst v63  }
0x34: {  	_ =	swait.ge [sflag:s14], $0x3C00  }
0x35: {  	[sflag:s14] =	ssyncset.done $0x0  }
0x36: {  	s29 =	simm.s32 $0x0;
	[sflag:s14] =	ssyncadd.s32 $0xFFFFC400  }
0x37: {  	[tilespmem:s29], [sflag:$0x2] =	stream.linear.gather [hbm4b:s10+s29], $0x2780, $0x38;
	[tilespmem:$0x1CC00] =	vst v63  }
0x38: {  	_ =	swait.ge [sflag:s14], $0x2780  }
0x39: {  	[sflag:s14] =	ssyncset.done $0x0  }
0x3a: {  	[sflag:s14] =	ssyncadd.s32 $0xFFFFD880  }
0x3b: {  	[tilespmem:s15], [sflag:$0x2] =	stream.linear.gather [hbm4b:s11+s29], $0x2780, $0x38;
	[tilespmem:$0x1CC00] =	vst v63  }
0x3c: {  	_ =	swait.ge [sflag:s14], $0x2780  }
0x3d: {  	[sflag:s14] =	ssyncset.done $0x0  }
0x3e: {  	[sflag:s14] =	ssyncadd.s32 $0xFFFFD880  }
0x3f: {  	s30 =	simm.s32 $0x0;
	[bflag:$0x0] =	sbarrier.arrive $0xFFFF  }
0x40: {  	[tilespmem:s13], [sflag:$0x1] =	stream.indirect.gather [hbm4b:s4+s16], $0x80, s30, s16, $0xb8;
	[tilespmem:$0x1CC00] =	vst v63  }
0x41: {  	_ =	swait.ge [sflag:s17], $0x4000  }
0x42: {  	[sflag:s17] =	ssyncset.done $0x0  }
0x43: {  	s31 =	simm.s32 $0x2800;
	[sflag:s17] =	ssyncadd.s32 $0xFFFFC000  }
0x44: {  	[spmem:s1] =	stream.indirect.scatter.add.f32 [tilespmem:s13], [sflag:$0x2], $0x80, s31, s16, $0xb8;
	[tilespmem:$0x1CC00] =	vst v63  }
0x45: {  	_ =	swait.ge [sflag:s14], $0x4000  }
0x46: {  	s21 =	simm.s32 $0x200;
	s22 =	simm.s32 $0x400;
	[sflag:s14] =	ssyncset.done $0x0  }
.LBB2_4:
0x47: {  	s23 =	sshra.s32 s21, $0x2  }
0x48: {  	[sflag:s14] =	ssyncadd.s32 $0xFFFFC000;
	s21 =	smov.u32 s22;
	s24 =	sadd.s32 $0x200, s22  }
0x49: {  	[tilespmem:s13], [sflag:$0x1] =	stream.indirect.gather [hbm4b:s4+s16], $0x80, s23, s16, $0xb8;
	[tilespmem:$0x1CC00] =	vst v63  }
0x4a: {  	p0 =	sne.s32 s22, $0x9C00;
	_ =	swait.ge [sflag:s17], $0x4000  }
.Ltmp1:
0x4b: {  	[sflag:s17] =	ssyncset.done $0x0;
	(pc) =	sbr.rel @p0 .LBB2_4-.Ltmp1, $4  }
0x4c: {  	s22 =	sadd.s32 $0x2800, s23;
	[sflag:s17] =	ssyncadd.s32 $0xFFFFC000  }
0x4d: {  	[spmem:s1] =	stream.indirect.scatter.add.f32 [tilespmem:s13], [sflag:$0x2], $0x80, s22, s16, $0xb8;
	[tilespmem:$0x1CC00] =	vst v63  }
0x4e: {  	_ =	swait.ge [sflag:s14], $0x4000  }
0x4f: {  	s22 =	smov.u32 s24;
	[sflag:s14] =	ssyncset.done $0x0  }
0x50: {  	s21 =	sshra.s32 s21, $0x2;
	[sflag:s14] =	ssyncadd.s32 $0xFFFFC000  }
0x51: {  	[tilespmem:s13], [sflag:$0x1] =	stream.indirect.gather [hbm4b:s4+s16], $0x80, s21, s16, $0xb8;
	[tilespmem:$0x1CC00] =	vst v63  }
0x52: {  	_ =	swait.ge [sflag:s17], $0x4000  }
0x53: {  	[sflag:s17] =	ssyncset.done $0x0  }
0x54: {  	s21 =	sadd.s32 $0x2800, s21;
	[sflag:s17] =	ssyncadd.s32 $0xFFFFC000  }
0x55: {  	[spmem:s1] =	stream.indirect.scatter.add.f32 [tilespmem:s13], [sflag:$0x2], $0x80, s21, s16, $0xb8;
	[tilespmem:$0x1CC00] =	vst v63  }
0x56: {  	_ =	swait.ge [sflag:s14], $0x4000  }
0x57: {  	s2 =	sadd.s32 $0x1, s2;
	[sflag:s14] =	ssyncset.done $0x0  }
0x58: {  	p0 =	sne.s32 s2, s12;
	[sflag:s14] =	ssyncadd.s32 $0xFFFFC000  }
.Ltmp2:
0x59: {  	[bflag:$0x0] =	sbarrier.arrive $0xFFFF;
	(pc) =	sbr.rel @p0 .LBB2_1-.Ltmp2, $4  }
0x5a: {  	[hbm:s18], [sflag:s19] =	dma.local [spmem:s20], $0x2780  }
0x5b: {  	_ =	swait.ge [sflag:s14], $0x2780  }
0x5c: {  	[sflag:s14] =	ssyncset.done $0x0  }
0x5d: {  	[sflag:s14] =	ssyncadd.s32 $0xFFFFD880  }
0x5e: {  	_ =	sfence.sel $0x180000  }
0x5f: {  	[bflag:$0x0] =	sbarrier.arrive $0xFFFF  }
0x60: {  	p0 =	sne.s32 s3, $0x0;
	_ =	strace $0x9000004D  }
0x61: {  	s0 =	sadd.s32 @!p0 $0x100000, s0;
	[bflag:$0x2] =	sbarrier.arrive $0xFFFF  }
0x62: {  	[sflag:s0] =	ssyncadd.tile.s32 @!p0 $0x1;
	_ =	shalt  }
.Lfunc_end2:
_tile_overlayer_lowered:
.L_overlay_start_2:
0x63: {  	(tag) =	ssettag $0x2  }
0x64: {  	s0 =	rddreg [dreg:$0x0];
	s2 =	stileid.u32  }
0x65: {  	s1 =	rddreg [dreg:$0x1];
	p0 =	sne.s32 s2, $0x0  }
0x66: {  	s3 =	rddreg [dreg:$0x2];
	[bflag:$0x3] =	sbarrier.arrive $0xFFFF;
	s2 =	simm.s32 @!p0 $0x1C02  }
0x67: {  	[timem:s3], [sflag:s2] =	dma.local @!p0 [hbm:s0], s1  }
0x68: {  	s0 =	simm.s32 @!p0 $0x2  }
0x69: {  	_ =	swait.ge @!p0 [sflag:s0], s1  }
0x6a: {  	s1 =	ssub.s32 @!p0 $0x0, s1;
	[sflag:s0] =	ssyncset.done @!p0 $0x0  }
0x6b: {  	[sflag:s0] =	ssyncadd.s32 @!p0 s1  }
0x6c: {  	[bflag:$0x3] =	sbarrier.arrive $0xFFFF  }
0x6d: {  	_ =	shalt  }

// kernel: kernel.8.cloned.1.call-start
scs
__scs_entry_jumppad:
0x0: {  	(pc) =	sbr.rel $0x88, $3  }
0x1: {  	(tag) =	ssettag $0x0;
	lr =	simm.s32 $0x1  }
0x2: {  	[smem:$0x3F9C] =	sst lr;
	_ =	strace $0xD0000000  }
0x3: {  	_ = 	snop  }
0x4: {  	_ = 	snop  }
0x5: {  	_ = 	snop  }
0x6: {  	_ = 	snop  }
0x7: {  	_ = 	snop  }
__scs_overlays_trampoline_lowered:
0x8: {  	[smem:$0x3FAB] =	sst s0  }
0x9: {  	[smem:$0x3FAC] =	sst s1  }
0xa: {  	[smem:$0x3FAD] =	sst s2  }
0xb: {  	[smem:$0x3FAE] =	sst s3  }
0xc: {  	[smem:$0x3FAF] =	sst s4  }
0xd: {  	[smem:$0x3FB0] =	sst s5  }
0xe: {  	[smem:$0x3FB1] =	sst s6  }
0xf: {  	[smem:$0x3FB2] =	sst s7  }
0x10: {  	[smem:$0x3FB3] =	sst s8  }
0x11: {  	[smem:$0x3FB4] =	sst s9;
	s0 =	simm.s32 @!p0 $0x0  }
0x12: {  	s1 =	sld [smem:$0x3F9A];
	s0 =	simm.s32 @p0 $0x1  }
0x13: {  	[smem:$0x3FB5] =	sst s0;
	s0 =	simm.s32 @!p1 $0x0  }
0x14: {  	s2 =	sld [smem:$0x3F99];
	s0 =	simm.s32 @p1 $0x1  }
0x15: {  	[smem:$0x3FB6] =	sst s0;
	s0 =	simm.s32 @!p2 $0x0  }
0x16: {  	s3 =	sld [smem:$0x3FDB];
	s0 =	simm.s32 @p2 $0x1  }
0x17: {  	s4 =	simm.s32 $0x1BF5;
	[smem:$0x3FB8] =	sst s0  }
0x18: {  	s0 =	sld [smem:$0x3F9B];
	_ =	swait.ge [sflag:s4], $0x0  }
0x19: {  	s7 =	sld [smem:$0x3F9C]  }
0x1a: {  	s8 =	sadd.s32 $0xFFFFE003, lr  }
0x1b: {  	s9 =	sadd.s32 $0xFFFFFEF7, lr;
	s5 =	simm.s32 $0xFFFFFFFF;
	p2 =	slt.u32 s8, $0xFFFFF086  }
0x1c: {  	p1 =	slt.u32 s9, $0xF7A;
	s5 =	simm.s32 @!p2 $0x0  }
0x1d: {  	s5 =	simm.s32 @p1 $0x1;
	p0 =	seq.s32 s7, s2  }
0x1e: {  	s7 =	smul.u32 @!p0 $0xF7A, s2;
	p2 =	seq.s32 @!p0 s5, $0x0  }
0x1f: {  	s9 =	smul.u32 $0xF7A, s1;
	s8 =	simm.s32 @!p0 $0x1BF5;
	p2 =	por !p2, p0  }
0x20: {  	[sflag:s8] =	ssyncset.s32 @!p0 $0xFFFFF086;
	s6 =	sadd.s32 @!p0 s3, s7;
	s7 =	simm.s32 @!p0 $0x108  }
0x21: {  	s3 =	sadd.s32 s3, s9;
	s6 =	sadd.s32 @!p0 $0x88, s6;
	s7 =	simm.s32 @p2 $0x1082  }
0x22: {  	[simem:s7], [sflag:s8] =	dma.local @!p0 [hbm:s6], $0xF7A  }
0x23: {  	s9 =	sor.u32 $0xD0000000, s2;
	s6 =	simm.s32 $0x108;
	_ =	swait.ge @!p0 [sflag:s8], $0x0  }
0x24: {  	s3 =	sadd.s32 $0x88, s3;
	s6 =	simm.s32 @!p1 $0x1082;
	[sflag:s4] =	ssyncset.s32 $0xFFFFF086  }
0x25: {  	[simem:s6], [sflag:s4] =	dma.local [hbm:s3], $0xF7A  }
0x26: {  	[smem:$0x3F9C] =	sst s1;
	(tag) =	ssettag s2;
	_ =	strace s9  }
0x27: {  	s1 =	sld [smem:$0x3FAC]  }
0x28: {  	s2 =	sld [smem:$0x3FAD]  }
0x29: {  	s4 =	sld [smem:$0x3FAF]  }
0x2a: {  	p0 =	seq.s32 s5, $0x0;
	s5 =	sld [smem:$0x3FB0]  }
0x2b: {  	s6 =	sld [smem:$0x3FB1]  }
0x2c: {  	s7 =	sld [smem:$0x3FB2]  }
0x2d: {  	s3 =	simm.s32 $0x108;
	s8 =	sld [smem:$0x3FB3]  }
0x2e: {  	s3 =	simm.s32 @!p0 $0x1082;
	s9 =	sld [smem:$0x3FB4]  }
0x2f: {  	lr =	sadd.s32 s0, s3;
	s0 =	sld [smem:$0x3FAB]  }
0x30: {  	s3 =	sld [smem:$0x3FAE]  }
0x31: {  	[smem:$0x3FB7] =	sst s10  }
0x32: {  	s10 =	sld [smem:$0x3FB5];
	_ =	sdelay $0x3  }
0x33: {  	p0 =	seq.s32 s10, $0x1;
	s10 =	sld [smem:$0x3FB7];
	_ =	sdelay $0x3  }
0x34: {  	[smem:$0x3FB7] =	sst s10  }
0x35: {  	s10 =	sld [smem:$0x3FB6];
	_ =	sdelay $0x3  }
0x36: {  	p1 =	seq.s32 s10, $0x1;
	s10 =	sld [smem:$0x3FB7];
	_ =	sdelay $0x3  }
0x37: {  	[smem:$0x3FB7] =	sst s10  }
0x38: {  	s10 =	sld [smem:$0x3FB8]  }
0x39: {  	_ = 	snop;
	(pc) =	sbr.ind lr, $3  }
0x3a: {  	_ = 	snop  }
0x3b: {  	_ = 	snop  }
0x3c: {  	p2 =	seq.s32 s10, $0x1;
	s10 =	sld [smem:$0x3FB7]  }
0x3d: {  	_ =	shalt  }
0x3e: {  	_ =	shalt  }
0x3f: {  	_ =	shalt  }
0x40: {  	_ =	shalt  }
0x41: {  	_ =	shalt  }
0x42: {  	_ =	shalt  }
0x43: {  	_ =	shalt  }
0x44: {  	_ =	shalt  }
0x45: {  	_ =	shalt  }
0x46: {  	_ =	shalt  }
0x47: {  	_ =	shalt  }
0x48: {  	_ =	shalt  }
0x49: {  	_ =	shalt  }
0x4a: {  	_ =	shalt  }
0x4b: {  	_ =	shalt  }
0x4c: {  	_ =	shalt  }
0x4d: {  	_ =	shalt  }
0x4e: {  	_ =	shalt  }
0x4f: {  	_ =	shalt  }
0x50: {  	_ =	shalt  }
0x51: {  	_ =	shalt  }
0x52: {  	_ =	shalt  }
0x53: {  	_ =	shalt  }
0x54: {  	_ =	shalt  }
0x55: {  	_ =	shalt  }
0x56: {  	_ =	shalt  }
0x57: {  	_ =	shalt  }
0x58: {  	_ =	shalt  }
0x59: {  	_ =	shalt  }
0x5a: {  	_ =	shalt  }
0x5b: {  	_ =	shalt  }
0x5c: {  	_ =	shalt  }
0x5d: {  	_ =	shalt  }
0x5e: {  	_ =	shalt  }
0x5f: {  	_ =	shalt  }
0x60: {  	_ =	shalt  }
0x61: {  	_ =	shalt  }
0x62: {  	_ =	shalt  }
0x63: {  	_ =	shalt  }
0x64: {  	_ =	shalt  }
0x65: {  	_ =	shalt  }
0x66: {  	_ =	shalt  }
0x67: {  	_ =	shalt  }
0x68: {  	_ =	shalt  }
0x69: {  	_ =	shalt  }
0x6a: {  	_ =	shalt  }
0x6b: {  	_ =	shalt  }
0x6c: {  	_ =	shalt  }
0x6d: {  	_ =	shalt  }
0x6e: {  	_ =	shalt  }
0x6f: {  	_ =	shalt  }
0x70: {  	_ =	shalt  }
0x71: {  	_ =	shalt  }
0x72: {  	_ =	shalt  }
0x73: {  	_ =	shalt  }
0x74: {  	_ =	shalt  }
0x75: {  	_ =	shalt  }
0x76: {  	_ =	shalt  }
0x77: {  	_ =	shalt  }
0x78: {  	_ =	shalt  }
0x79: {  	_ =	shalt  }
0x7a: {  	_ =	shalt  }
0x7b: {  	_ =	shalt  }
0x7c: {  	_ =	shalt  }
0x7d: {  	_ =	shalt  }
0x7e: {  	_ =	shalt  }
0x7f: {  	_ =	shalt  }
0x80: {  	_ =	shalt  }
0x81: {  	_ =	shalt  }
0x82: {  	_ =	shalt  }
0x83: {  	_ =	shalt  }
0x84: {  	_ =	shalt  }
0x85: {  	_ =	shalt  }
0x86: {  	_ =	shalt  }
0x87: {  	_ =	shalt  }
.Lfunc_end0:
.L_simem_size_0:
called_computation_lowered:
.L_overlay_start_0:
0x88: {  	s2 =	sld [smem:$0x3FD9]  }
0x89: {  	s3 =	sld [smem:$0x3FFE];
	_ =	sdelay $0x1  }
0x8a: {  	s1 =	srdreg.scid  }
0x8b: {  	s0 =	sand.u32 $0x1, s1  }
0x8c: {  	s14 =	sshll.u32 s0, $0xA;
	s2 =	sadd.s32 s3, s2  }
0x8d: {  	s2 =	sadd.s32 s2, s14  }
0x8e: {  	[smem:$0x3FC3] =	sst s2  }
0x8f: {  	_ = 	snop  }
0x90: {  	s2 =	sld [smem:$0x3FD0];
	_ =	sdelay $0x2  }
0x91: {  	s15 =	simm.s32 $0xA;
	s4 =	simm.s32 $0x10  }
0x92: {  	[smem:s4], [sflag:s15] =	dma.local [hbm:s2], $0x1  }
0x93: {  	_ =	swait.eq [sflag:s15], $0x1  }
0x94: {  	[sflag:s15] =	ssyncset.done $0x0  }
0x95: {  	[sflag:s15] =	ssyncadd.s32 $0xFFFFFFFF  }
0x96: {  	s16 =	sld [smem:$0x11];
	(tm) =	ssettm $0x1  }
0x97: {  	s17 =	sld [smem:$0x3FFB];
	_ =	sdelay $0x3  }
0x98: {  	_ =	strace s17  }
0x99: {  	s3 =	sld [smem:$0x3FFC];
	_ =	sdelay $0x3  }
0x9a: {  	_ =	strace s3  }
0x9b: {  	s3 =	sld [smem:$0x3FFD];
	_ =	sdelay $0x3  }
0x9c: {  	_ =	strace s3  }
0x9d: {  	_ =	strace $0x8FFFFFFF  }
0x9e: {  	s18 =	sld [smem:$0x3FDB];
	_ =	sdelay $0x1  }
0x9f: {  	s19 =	simm.s32 $_scs_section_size  }
0xa0: {  	s5 =	simm.s32 $_size__tile_overlayer_lowered;
	s6 =	simm.s32 $_tile_overlayer_lowered  }
0xa1: {  	s22 =	simm.s32 $0x1BFF;
	s21 =	sshll.u32 s6, $0x1;
	s3 =	sadd.s32 s19, s18  }
0xa2: {  	s7 =	simm.s32 $0x0;
	s20 =	sshll.u32 s5, $0x1;
	s5 =	sadd.s32 s21, s3  }
0xa3: {  	[timem:s7], [sflag:s22] =	dma.local [hbm:s5], s20  }
0xa4: {  	_ =	swait.ge [sflag:s22], s20  }
0xa5: {  	s4 =	ssub.s32 $0x0, s20;
	[sflag:s22] =	ssyncset.done $0x0  }
0xa6: {  	[sflag:s22] =	ssyncadd.s32 s4;
	_ =	sdelay $0x1  }
0xa7: {  	s23 =	simm.s32 $0x1B8B  }
0xa8: {  	_ =	swait.ge [sflag:s23], $0x1  }
0xa9: {  	[sflag:s23] =	ssyncset.done $0x0  }
0xaa: {  	s25 =	simm.s32 $0x1B8E;
	s24 =	sld [smem:$0x3FFE];
	[sflag:s23] =	ssyncadd.s32 $0xFFFFFFFF  }
0xab: {  	s26 =	simm.s32 $execute0_lowered;
	[smem:$0x3FD2] =	sst s25  }
0xac: {  	s5 =	sshll.u32 s26, $0x1;
	_ =	strace $0x80000046;
	[dreg:$0x1] =	wrdreg $0xFFFFFFFF  }
0xad: {  	s28 =	simm.s32 $_size_execute0_lowered;
	s3 =	sadd.s32 s3, s5;
	[dreg:$0x0] =	wrdreg $0x0  }
0xae: {  	s5 =	sshll.u32 s28, $0x1;
	[dreg:$0x2] =	wrdreg s3  }
0xaf: {  	[dreg:$0x3] =	wrdreg s5  }
0xb0: {  	[dreg:$0x4] =	wrdreg $0xC0  }
0xb1: {  	_ =	task [dreg:s7], $0x5FFFF  }
0xb2: {  	[dreg:$0x1] =	wrdreg $0xFFFFFFFF  }
0xb3: {  	[dreg:$0x0] =	wrdreg $0x60  }
0xb4: {  	[dreg:$0x2] =	wrdreg s16  }
0xb5: {  	[dreg:$0x3] =	wrdreg s24  }
0xb6: {  	[dreg:$0x4] =	wrdreg $0x2B000  }
0xb7: {  	[dreg:$0x5] =	wrdreg $0x9  }
0xb8: {  	_ =	task.clear_ibuf [dreg:s7], $0x6FFFF;
	_ =	strace $0x90000046  }
0xb9: {  	s29 =	simm.s32 $0x9;
	_ =	strace $0x80000048  }
0xba: {  	_ =	swait.ge [sflag:s29], $0x1  }
0xbb: {  	[sflag:s29] =	ssyncadd.s32 $0xFFFFFFFF  }
0xbc: {  	_ =	strace $0x90000048  }
0xbd: {  	_ =	sfence  }
0xbe: {  	s30 =	sld [smem:$0x0];
	_ =	sdelay $0x2  }
0xbf: {  	s31 =	sshll.u32 s1, $0xD;
	s1 =	sshrl.u32 s1, $0x2  }
0xc0: {  	s3 =	sand.u32 $0x4000, s31;
	s1 =	sadd.s32 s1, s30  }
0xc1: {  	s0 =	sor.u32 s3, s0;
	s1 =	sshll.u32 s1, $0x11  }
0xc2: {  	s0 =	sor.u32 s1, s0  }
0xc3: {  	s0 =	sadd.s32 $0x8F2B, s0  }
0xc4: {  	[sflag:s0] =	ssyncadd.remote.s32 $0x1  }
0xc5: {  	_ =	sfence.sel $0xFFFF  }
0xc6: {  	[dreg:$0x0] =	wrdreg $0xFFFFFFFF;
	(pc) =	sbr.abs _section_cstart, $3  }
0xc7: {  	[dreg:$0x1] =	wrdreg $0xFFFFFFFF  }
0xc8: {  	_ =	task.clear_ibuf [dreg:s7], $0x2FFFF;
	_ =	strace $0x9FFFFFFF  }
0xc9: {  	(tm) =	ssettm $0x7FFFFFFF  }
tec
execute0_lowered:
.L_overlay_start_1:
0x0: {  	(tag) =	ssettag $0x1  }
0x1: {  	s5 =	rddreg [dreg:$0x0]  }
0x2: {  	s4 =	rddreg [dreg:$0x1]  }
0x3: {  	s1 =	rddreg [dreg:$0x2]  }
0x4: {  	s0 =	rddreg [dreg:$0x3];
	s2 =	srdreg.scid  }
0x5: {  	s3 =	simm.s32 $0x0;
	s14 =	simm.s32 $0x20;
	s15 =	simm.s32 $0x10  }
0x6: {  	s16 =	simm.s32 $0x0;
	s6 =	sand.u32 $0x1, s2;
	s2 =	stileid.u32  }
0x7: {  	[smem:$0x7FF] =	sst s3;
	s7 =	sshll.u32 s6, $0x4;
	s8 =	smul.u32 $0xA00, s2  }
0x8: {  	_ =	strace $0x80000047;
	s6 =	ssub.s32 $0x2, s6;
	s12 =	smul.u32 $0xA0, s2  }
0x9: {  	s13 =	sshll.u32 s2, $0x6;
	s9 =	sor.u32 s2, s7;
	s10 =	sshrl.u32 s6, $0x1  }
0xa: {  	s7 =	sadd.s32 s7, s4;
	s8 =	sshrl.u32 s8, $0x2;
	s9 =	smul.u32 $0x500, s9  }
0xb: {  	s6 =	ssub.s32 s6, s10;
	s11 =	sadd.s32 $0x2400, s7;
	s7 =	simm.s32 $0x2880  }
0xc: {  	s10 =	simm.s32 $0x2800;
	s4 =	sadd.s32 s8, s1;
	s6 =	smax.u32 s6, $0x1  }
0xd: {  	s8 =	simm.s32 $0x1;
	s11 =	sadd.s32 s12, s11;
	s12 =	sor.u32 $0x1C01, s13  }
0xe: {  	v0 =	vimm.f32 $1.000000000e+00;
	v1 =	vimm.f32 $0.0e+00;
	s5 =	sadd.s32 s5, s9;
	s9 =	simm.s32 $0x80;
	s13 =	sshrl.u32 s4, $0x3  }
.LBB2_1:
0xf: {  	[tilespmem:$0x2800] =	vst v0  }
0x10: {  	[tilespmem:$0x2810] =	vst v0  }
0x11: {  	[tilespmem:$0x2820] =	vst v0  }
0x12: {  	[tilespmem:$0x2830] =	vst v0  }
0x13: {  	[tilespmem:$0x2840] =	vst v0  }
0x14: {  	[tilespmem:$0x2850] =	vst v0  }
0x15: {  	[tilespmem:$0x2860] =	vst v0  }
0x16: {  	[tilespmem:$0x2870] =	vst v0  }
0x17: {  	[tilespmem:$0x2880] =	vst v1  }
0x18: {  	[tilespmem:$0x2890] =	vst v1  }
0x19: {  	[tilespmem:$0x28A0] =	vst v1  }
0x1a: {  	[tilespmem:$0x28B0] =	vst v1  }
0x1b: {  	[tilespmem:$0x28C0] =	vst v1  }
0x1c: {  	[tilespmem:$0x28D0] =	vst v1  }
0x1d: {  	[tilespmem:$0x28E0] =	vst v1  }
0x1e: {  	[tilespmem:$0x28F0] =	vst v1  }
0x1f: {  	[tilespmem:$0x2900] =	vst v1  }
0x20: {  	[tilespmem:$0x2910] =	vst v1  }
0x21: {  	[tilespmem:$0x2920] =	vst v1  }
0x22: {  	[tilespmem:$0x2930] =	vst v1  }
0x23: {  	[tilespmem:$0x2940] =	vst v1  }
0x24: {  	[tilespmem:$0x2950] =	vst v1  }
0x25: {  	[tilespmem:$0x2960] =	vst v1  }
0x26: {  	[tilespmem:$0x2970] =	vst v1  }
0x27: {  	[tilespmem:$0x2980] =	vst v1  }
0x28: {  	[tilespmem:$0x2990] =	vst v1  }
0x29: {  	[tilespmem:$0x29A0] =	vst v1  }
0x2a: {  	[tilespmem:$0x29B0] =	vst v1  }
0x2b: {  	[tilespmem:$0x29C0] =	vst v1  }
0x2c: {  	[tilespmem:$0x29D0] =	vst v1  }
0x2d: {  	[tilespmem:$0x29E0] =	vst v1  }
0x2e: {  	[tilespmem:$0x29F0] =	vst v1  }
0x2f: {  	[tilespmem:$0x2A00] =	vst v1  }
0x30: {  	[tilespmem:$0x2A10] =	vst v1  }
0x31: {  	[tilespmem:$0x2A20] =	vst v1  }
0x32: {  	[tilespmem:$0x2A30] =	vst v1  }
0x33: {  	[tilespmem:$0x2A40] =	vst v1  }
0x34: {  	[tilespmem:$0x2A50] =	vst v1  }
0x35: {  	[tilespmem:$0x2A60] =	vst v1  }
0x36: {  	[tilespmem:$0x2A70] =	vst v1  }
0x37: {  	[tilespmem:$0x2A80] =	vst v1  }
0x38: {  	[tilespmem:$0x2A90] =	vst v1  }
0x39: {  	[tilespmem:$0x2AA0] =	vst v1  }
0x3a: {  	[tilespmem:$0x2AB0] =	vst v1  }
0x3b: {  	[tilespmem:$0x2AC0] =	vst v1  }
0x3c: {  	[tilespmem:$0x2AD0] =	vst v1  }
0x3d: {  	[tilespmem:$0x2AE0] =	vst v1  }
0x3e: {  	[tilespmem:$0x2AF0] =	vst v1  }
0x3f: {  	[spmem:s4] =	stream.linear.scatter [tilespmem:s7], [sflag:$0x1], $0x280, $0x38;
	[tilespmem:$0x2D80] =	vst v63  }
0x40: {  	_ =	swait.ge [sflag:s8], $0x280  }
0x41: {  	[sflag:s8] =	ssyncset.done $0x0  }
0x42: {  	[sflag:s8] =	ssyncadd.s32 $0xFFFFFD80  }
0x43: {  	[tilespmem:s3], [sflag:$0x1] =	stream.linear.gather [hbm4b:s5+s3], $0x2780, $0x38;
	[tilespmem:$0x2D80] =	vst v63  }
0x44: {  	_ =	swait.ge [sflag:s8], $0x2780  }
0x45: {  	[sflag:s8] =	ssyncset.done $0x0  }
0x46: {  	[sflag:s8] =	ssyncadd.s32 $0xFFFFD880  }
0x47: {  	s17 =	simm.s32 $0x0;
	[bflag:$0x0] =	sbarrier.arrive $0xFFFF  }
0x48: {  	[spmem:s1] =	stream.indirect.scatter.add.f32 [tilespmem:s10], [sflag:$0x1], $0x1, s17, s9, $0xb8;
	[tilespmem:$0x2D80] =	vst v63  }
0x49: {  	_ =	swait.ge [sflag:s8], $0x80  }
0x4a: {  	s17 =	simm.s32 $0x200;
	[sflag:s8] =	ssyncset.done $0x0  }
.LBB2_2:
0x4b: {  	s18 =	sshra.s32 s17, $0x2;
	[sflag:s8] =	ssyncadd.s32 $0xFFFFFF80;
	p0 =	sne.s32 s17, $0x9C00  }
0x4c: {  	[spmem:s1] =	stream.indirect.scatter.add.f32 [tilespmem:s10], [sflag:$0x1], $0x1, s18, s9, $0xb8;
	[tilespmem:$0x2D80] =	vst v63  }
.Ltmp0:
0x4d: {  	_ = 	snop;
	(pc) =	sbr.rel @p0 .LBB2_2-.Ltmp0, $4  }
0x4e: {  	_ = 	snop  }
0x4f: {  	s17 =	sadd.s32 $0x200, s17  }
0x50: {  	_ =	swait.ge [sflag:s8], $0x80  }
0x51: {  	[sflag:s8] =	ssyncset.done $0x0  }
0x52: {  	s16 =	sadd.s32 $0x1, s16  }
0x53: {  	[sflag:s8] =	ssyncadd.s32 $0xFFFFFF80;
	p0 =	sne.s32 s16, s6  }
.Ltmp1:
0x54: {  	[bflag:$0x0] =	sbarrier.arrive $0xFFFF;
	(pc) =	sbr.rel @p0 .LBB2_1-.Ltmp1, $4  }
0x55: {  	[hbm:s11@s14], [sflag:s12] =	dma.strided [spmem:s13@s15], $0x50, s8, $0x10   }
0x56: {  	_ =	swait.ge [sflag:s8], $0x50  }
0x57: {  	[sflag:s8] =	ssyncset.done $0x0  }
0x58: {  	[sflag:s8] =	ssyncadd.s32 $0xFFFFFFB0  }
0x59: {  	_ =	sfence.sel $0x180000  }
0x5a: {  	[bflag:$0x0] =	sbarrier.arrive $0xFFFF  }
0x5b: {  	p0 =	sne.s32 s2, $0x0;
	_ =	strace $0x90000047  }
0x5c: {  	s0 =	sadd.s32 @!p0 $0x100000, s0;
	[bflag:$0x2] =	sbarrier.arrive $0xFFFF  }
0x5d: {  	[sflag:s0] =	ssyncadd.tile.s32 @!p0 $0x1;
	_ =	shalt  }
.Lfunc_end2:
_tile_overlayer_lowered:
.L_overlay_start_2:
0x5e: {  	(tag) =	ssettag $0x2  }
0x5f: {  	s0 =	rddreg [dreg:$0x0];
	s2 =	stileid.u32  }
0x60: {  	s1 =	rddreg [dreg:$0x1];
	p0 =	sne.s32 s2, $0x0  }
0x61: {  	s3 =	rddreg [dreg:$0x2];
	[bflag:$0x3] =	sbarrier.arrive $0xFFFF;
	s2 =	simm.s32 @!p0 $0x1C01  }
0x62: {  	[timem:s3], [sflag:s2] =	dma.local @!p0 [hbm:s0], s1  }
0x63: {  	s0 =	simm.s32 @!p0 $0x1  }
0x64: {  	_ =	swait.ge @!p0 [sflag:s0], s1  }
0x65: {  	s1 =	ssub.s32 @!p0 $0x0, s1;
	[sflag:s0] =	ssyncset.done @!p0 $0x0  }
0x66: {  	[sflag:s0] =	ssyncadd.s32 @!p0 s1  }
0x67: {  	[bflag:$0x3] =	sbarrier.arrive $0xFFFF  }
0x68: {  	_ =	shalt  }

</sc_bundles>
